<compile_context>
chip_gen: v7x
topology: tpu7x:2x2x1
jax: 0.10.2.dev20260603
libtpu: 0.0.44.dev20260713+nightly
codegen_flags: <defaults>
</compile_context>

<pallas_src>
import jax
import jax.numpy as jnp
from jax import lax
from jax.experimental import pallas as pl
from jax.experimental.pallas import tpu as pltpu
from jax.experimental.pallas import tpu_sc as plsc

DIM = 128
BATCH = 16384

NUM_CORES = 2
NUM_SUBCORES = 16
LANES = 16
NUM_WORKERS = NUM_CORES * NUM_SUBCORES
BPW = BATCH // NUM_WORKERS
CHUNK = 32
NCHUNK = BPW // CHUNK
NGROUP = CHUNK // LANES


def _body(s_h, r_h, o_h, t_h, ere_h, eim_h, rre_h, rim_h, tre_h, tim_h,
          out_h,
          idx_s, idx_r, idx_o, idx_t,
          bufs0, bufs1, out_v, sem0, sem1):
    wid = lax.axis_index("s") * NUM_CORES + lax.axis_index("c")
    base = wid * BPW

    icps = [
        pltpu.make_async_copy(s_h.at[pl.ds(base, BPW)], idx_s, sem0),
        pltpu.make_async_copy(r_h.at[pl.ds(base, BPW)], idx_r, sem0),
        pltpu.make_async_copy(o_h.at[pl.ds(base, BPW)], idx_o, sem0),
        pltpu.make_async_copy(t_h.at[pl.ds(base, BPW)], idx_t, sem0),
    ]
    for cp in icps:
        cp.start()
    for cp in icps:
        cp.wait()

    lane = lax.broadcasted_iota(jnp.int32, (LANES,), 0)
    bufs = (bufs0, bufs1)
    sems = (sem0, sem1)

    def copies(c, b):
        sl = pl.ds(c * CHUNK, CHUNK)
        sre_r, sim_r, rre_r, rim_r, ore_r, oim_r, tre_r, tim_r = bufs[b]
        sem = sems[b]
        return [
            pltpu.make_async_copy(ere_h.at[idx_s.at[sl]], sre_r, sem),
            pltpu.make_async_copy(eim_h.at[idx_s.at[sl]], sim_r, sem),
            pltpu.make_async_copy(rre_h.at[idx_r.at[sl]], rre_r, sem),
            pltpu.make_async_copy(rim_h.at[idx_r.at[sl]], rim_r, sem),
            pltpu.make_async_copy(ere_h.at[idx_o.at[sl]], ore_r, sem),
            pltpu.make_async_copy(eim_h.at[idx_o.at[sl]], oim_r, sem),
            pltpu.make_async_copy(tre_h.at[idx_t.at[sl]], tre_r, sem),
            pltpu.make_async_copy(tim_h.at[idx_t.at[sl]], tim_r, sem),
        ]

    def issue(c, b):
        for cp in copies(c, b):
            cp.start()

    def wait(c, b):
        for cp in copies(c, b):
            cp.wait()

    def compute(c, b):
        sre_r, sim_r, rre_r, rim_r, ore_r, oim_r, tre_r, tim_r = bufs[b]
        elems = [g * LANES + lane for g in range(NGROUP)]

        def dim_body(d, accs):
            dv = jnp.bitwise_and(d + lane, DIM - 1)
            new = []
            for g in range(NGROUP):
                elem = elems[g]
                sre = plsc.load_gather(sre_r, [elem, dv])
                sim = plsc.load_gather(sim_r, [elem, dv])
                rre = plsc.load_gather(rre_r, [elem, dv])
                rim = plsc.load_gather(rim_r, [elem, dv])
                ore = plsc.load_gather(ore_r, [elem, dv])
                oim = plsc.load_gather(oim_r, [elem, dv])
                tre = plsc.load_gather(tre_r, [elem, dv])
                tim = plsc.load_gather(tim_r, [elem, dv])
                pre = sre * ore + sim * oim
                pim = sim * ore - sre * oim
                rtre = rre * tre - rim * tim
                rtim = rre * tim + rim * tre
                new.append(accs[g] + (pre * rtre - pim * rtim))
            return tuple(new)

        accs = lax.fori_loop(
            0, DIM, dim_body,
            tuple(jnp.zeros((LANES,), jnp.float32) for _ in range(NGROUP)))
        for g in range(NGROUP):
            out_v[pl.ds(c * CHUNK + g * LANES, LANES)] = accs[g]

    issue(0, 0)
    issue(1, 1)

    def pair_body(cp, carry):
        for b in range(2):
            c = 2 * cp + b
            wait(c, b)
            compute(c, b)

            @pl.when(c + 2 < NCHUNK)
            def _():
                issue(c + 2, b)
        return carry

    lax.fori_loop(0, NCHUNK // 2, pair_body, 0)
    pltpu.sync_copy(out_v, out_h.at[pl.ds(base, BPW)])


@jax.jit
def _run(s_i, r_i, o_i, t_i, E_re, E_im, R_re, R_im, T_re, T_im):
    mesh = plsc.VectorSubcoreMesh(core_axis_name="c", subcore_axis_name="s",
                                  num_cores=NUM_CORES,
                                  num_subcores=NUM_SUBCORES)
    buf_set = tuple(pltpu.VMEM((CHUNK, DIM), jnp.float32) for _ in range(8))
    f = pl.kernel(
        _body,
        out_type=jax.ShapeDtypeStruct((BATCH,), jnp.float32),
        mesh=mesh,
        scratch_types=[
            pltpu.VMEM((BPW,), jnp.int32),
            pltpu.VMEM((BPW,), jnp.int32),
            pltpu.VMEM((BPW,), jnp.int32),
            pltpu.VMEM((BPW,), jnp.int32),
            buf_set,
            tuple(pltpu.VMEM((CHUNK, DIM), jnp.float32) for _ in range(8)),
            pltpu.VMEM((BPW,), jnp.float32),
            pltpu.SemaphoreType.DMA,
            pltpu.SemaphoreType.DMA,
        ],
        compiler_params=pltpu.CompilerParams(needs_layout_passes=False),
    )
    return f(s_i, r_i, o_i, t_i, E_re, E_im, R_re, R_im, T_re, T_im)


def kernel(s, r, o, t, E_re, E_im, R_re, R_im, T_re, T_im):
    s_i = jnp.asarray(s[:, 0], jnp.int32)
    r_i = jnp.asarray(r[:, 0], jnp.int32)
    o_i = jnp.asarray(o[:, 0], jnp.int32)
    t_i = jnp.asarray(t[:, 0, 0], jnp.int32)
    out = _run(s_i, r_i, o_i, t_i, E_re, E_im, R_re, R_im, T_re, T_im)
    return out.reshape(BATCH, 1)

# --- scband reference (transcript-rebuilt; emitter-appended) ---
"""Pipeline reference for scband-tcomplex-lx-69002944577707 (READ-ONLY COPY).

The authoritative reference and input builder live on the scoring server;
editing this copy changes nothing except your own understanding.
"""

import jax, jax.numpy as jnp
import numpy as np

ENTITY_COUNT = 100000
RELATION_COUNT = 500
TIME_COUNT = 365
DIM = 128
BATCH = 16384


def setup_inputs(seed: int = 0) -> dict:
    key = jax.random.key(seed)
    ks = jax.random.split(key, 10)
    s = jax.random.randint(ks[0], (BATCH, 1), 0, ENTITY_COUNT)
    r = jax.random.randint(ks[1], (BATCH, 1), 0, 2 * RELATION_COUNT)
    o = jax.random.randint(ks[2], (BATCH, 1), 0, ENTITY_COUNT)
    t = jax.random.randint(ks[3], (BATCH, 1, 6), 0, TIME_COUNT + 1)
    E_re = 0.05 * jax.random.normal(ks[4], (ENTITY_COUNT, DIM), dtype=jnp.float32)
    E_im = 0.05 * jax.random.normal(ks[5], (ENTITY_COUNT, DIM), dtype=jnp.float32)
    R_re = 0.05 * jax.random.normal(ks[6], (2 * RELATION_COUNT, DIM), dtype=jnp.float32)
    R_im = 0.05 * jax.random.normal(ks[7], (2 * RELATION_COUNT, DIM), dtype=jnp.float32)
    T_re = 0.05 * jax.random.normal(ks[8], (TIME_COUNT + 2, DIM), dtype=jnp.float32)
    T_im = 0.05 * jax.random.normal(ks[9], (TIME_COUNT + 2, DIM), dtype=jnp.float32)
    return {"s": s, "r": r, "o": o, "t": t,
            "E_re": E_re, "E_im": E_im, "R_re": R_re, "R_im": R_im,
            "T_re": T_re, "T_im": T_im}


def reference(s, r, o, t, E_re, E_im, R_re, R_im, T_re, T_im):
    # t has last dim == len(time_index) == 6 -> take t_s column
    t_idx = t[:, :, 0]
    # embedding lookups (gathers)
    s_im = jnp.take(E_im, s, axis=0)
    r_im = jnp.take(R_im, r, axis=0)
    o_im = jnp.take(E_im, o, axis=0)
    s_re = jnp.take(E_re, s, axis=0)
    r_re = jnp.take(R_re, r, axis=0)
    o_re = jnp.take(E_re, o, axis=0)
    t_re = jnp.take(T_re, t_idx, axis=0)
    t_im = jnp.take(T_im, t_idx, axis=0)
    # complex_hadamard(r, t)
    r_re_t = r_re * t_re - r_im * t_im
    r_im_t = r_re * t_im + r_im * t_re
    # complex_3way_simple: Re(<s, r*t, conj(o)>) summed over embedding dim
    srto = jnp.sum((s_re * r_re_t - s_im * r_im_t) * o_re
                   + (s_re * r_im_t + s_im * r_re_t) * o_im, axis=-1)
    return srto

if __name__ == "__main__":
    import jax
    _d = setup_inputs()
    print(jax.jit(kernel)(*tuple(_d.values())))

</pallas_src>

<mosaic_0001>
#map = affine_map<(d0, d1) -> (0)>
#map1 = affine_map<(d0, d1) -> (0, 0)>
module attributes {stable_mosaic.version = 14 : i64} {
  func.func @_body(%arg0: i32, %arg1: i32, %arg2: memref<16384xi32, #tpu.memory_space<hbm>>, %arg3: memref<16384xi32, #tpu.memory_space<hbm>>, %arg4: memref<16384xi32, #tpu.memory_space<hbm>>, %arg5: memref<16384xi32, #tpu.memory_space<hbm>>, %arg6: memref<100000x128xf32, #tpu.memory_space<hbm>>, %arg7: memref<100000x128xf32, #tpu.memory_space<hbm>>, %arg8: memref<1000x128xf32, #tpu.memory_space<hbm>>, %arg9: memref<1000x128xf32, #tpu.memory_space<hbm>>, %arg10: memref<367x128xf32, #tpu.memory_space<hbm>>, %arg11: memref<367x128xf32, #tpu.memory_space<hbm>>, %arg12: memref<16384xf32, #tpu.memory_space<hbm>>, %arg13: memref<512xi32, #tpu.memory_space<vmem>>, %arg14: memref<512xi32, #tpu.memory_space<vmem>>, %arg15: memref<512xi32, #tpu.memory_space<vmem>>, %arg16: memref<512xi32, #tpu.memory_space<vmem>>, %arg17: memref<32x128xf32, #tpu.memory_space<vmem>>, %arg18: memref<32x128xf32, #tpu.memory_space<vmem>>, %arg19: memref<32x128xf32, #tpu.memory_space<vmem>>, %arg20: memref<32x128xf32, #tpu.memory_space<vmem>>, %arg21: memref<32x128xf32, #tpu.memory_space<vmem>>, %arg22: memref<32x128xf32, #tpu.memory_space<vmem>>, %arg23: memref<32x128xf32, #tpu.memory_space<vmem>>, %arg24: memref<32x128xf32, #tpu.memory_space<vmem>>, %arg25: memref<32x128xf32, #tpu.memory_space<vmem>>, %arg26: memref<32x128xf32, #tpu.memory_space<vmem>>, %arg27: memref<32x128xf32, #tpu.memory_space<vmem>>, %arg28: memref<32x128xf32, #tpu.memory_space<vmem>>, %arg29: memref<32x128xf32, #tpu.memory_space<vmem>>, %arg30: memref<32x128xf32, #tpu.memory_space<vmem>>, %arg31: memref<32x128xf32, #tpu.memory_space<vmem>>, %arg32: memref<32x128xf32, #tpu.memory_space<vmem>>, %arg33: memref<512xf32, #tpu.memory_space<vmem>>, %arg34: memref<!tpu.dma_semaphore, #tpu.memory_space<semaphore_mem>>, %arg35: memref<!tpu.dma_semaphore, #tpu.memory_space<semaphore_mem>>) attributes {dimension_semantics = [#tpu.dimension_semantics<core_parallel>, #tpu.dimension_semantics<subcore_parallel>], iteration_bounds = array<i64: 2, 16>, scalar_prefetch = 0 : i64, scratch_operands = 23 : i64, tpu.core_type = #tpu.core_type<sc_vector_subcore>, window_params = [{transform_indices = #map}, {transform_indices = #map}, {transform_indices = #map}, {transform_indices = #map}, {transform_indices = #map1}, {transform_indices = #map1}, {transform_indices = #map1}, {transform_indices = #map1}, {transform_indices = #map1}, {transform_indices = #map1}, {transform_indices = #map}]} {
    %mul3A = arith.constant 2 : i32
    %mul3A_0 = arith.muli %arg1, %mul3A : i32
    %add3A = arith.addi %mul3A_0, %arg0 : i32
    %mul3A_1 = arith.constant 512 : i32
    %mul3A_2 = arith.muli %add3A, %mul3A_1 : i32
    %dma_start3A = tpu.memref_slice %arg2[%mul3A_2] : memref<16384xi32, #tpu.memory_space<hbm>> -> memref<512xi32, #tpu.memory_space<hbm>>
    %dma_start3A_3 = tpu.memref_slice %arg2[%mul3A_2] : memref<16384xi32, #tpu.memory_space<hbm>> -> memref<512xi32, #tpu.memory_space<hbm>>
    tpu.enqueue_dma source(%dma_start3A_3 : memref<512xi32, #tpu.memory_space<hbm>>) target(%arg13 : memref<512xi32, #tpu.memory_space<vmem>>) target_semaphore(%arg34 : memref<!tpu.dma_semaphore, #tpu.memory_space<semaphore_mem>>)
    %dma_start3A_4 = tpu.memref_slice %arg3[%mul3A_2] : memref<16384xi32, #tpu.memory_space<hbm>> -> memref<512xi32, #tpu.memory_space<hbm>>
    %dma_start3A_5 = tpu.memref_slice %arg3[%mul3A_2] : memref<16384xi32, #tpu.memory_space<hbm>> -> memref<512xi32, #tpu.memory_space<hbm>>
    tpu.enqueue_dma source(%dma_start3A_5 : memref<512xi32, #tpu.memory_space<hbm>>) target(%arg14 : memref<512xi32, #tpu.memory_space<vmem>>) target_semaphore(%arg34 : memref<!tpu.dma_semaphore, #tpu.memory_space<semaphore_mem>>)
    %dma_start3A_6 = tpu.memref_slice %arg4[%mul3A_2] : memref<16384xi32, #tpu.memory_space<hbm>> -> memref<512xi32, #tpu.memory_space<hbm>>
    %dma_start3A_7 = tpu.memref_slice %arg4[%mul3A_2] : memref<16384xi32, #tpu.memory_space<hbm>> -> memref<512xi32, #tpu.memory_space<hbm>>
    tpu.enqueue_dma source(%dma_start3A_7 : memref<512xi32, #tpu.memory_space<hbm>>) target(%arg15 : memref<512xi32, #tpu.memory_space<vmem>>) target_semaphore(%arg34 : memref<!tpu.dma_semaphore, #tpu.memory_space<semaphore_mem>>)
    %dma_start3A_8 = tpu.memref_slice %arg5[%mul3A_2] : memref<16384xi32, #tpu.memory_space<hbm>> -> memref<512xi32, #tpu.memory_space<hbm>>
    %dma_start3A_9 = tpu.memref_slice %arg5[%mul3A_2] : memref<16384xi32, #tpu.memory_space<hbm>> -> memref<512xi32, #tpu.memory_space<hbm>>
    tpu.enqueue_dma source(%dma_start3A_9 : memref<512xi32, #tpu.memory_space<hbm>>) target(%arg16 : memref<512xi32, #tpu.memory_space<vmem>>) target_semaphore(%arg34 : memref<!tpu.dma_semaphore, #tpu.memory_space<semaphore_mem>>)
    %dma_wait3A = tpu.memref_slice %arg2[%mul3A_2] : memref<16384xi32, #tpu.memory_space<hbm>> -> memref<512xi32, #tpu.memory_space<hbm>>
    %dma_wait3A_10 = tpu.memref_slice %arg2[%mul3A_2] : memref<16384xi32, #tpu.memory_space<hbm>> -> memref<512xi32, #tpu.memory_space<hbm>>
    tpu.wait_dma2 semaphore(%arg34 : memref<!tpu.dma_semaphore, #tpu.memory_space<semaphore_mem>>) src(%dma_wait3A_10 : memref<512xi32, #tpu.memory_space<hbm>>) dst(%arg13 : memref<512xi32, #tpu.memory_space<vmem>>)
    %dma_wait3A_11 = tpu.memref_slice %arg3[%mul3A_2] : memref<16384xi32, #tpu.memory_space<hbm>> -> memref<512xi32, #tpu.memory_space<hbm>>
    %dma_wait3A_12 = tpu.memref_slice %arg3[%mul3A_2] : memref<16384xi32, #tpu.memory_space<hbm>> -> memref<512xi32, #tpu.memory_space<hbm>>
    tpu.wait_dma2 semaphore(%arg34 : memref<!tpu.dma_semaphore, #tpu.memory_space<semaphore_mem>>) src(%dma_wait3A_12 : memref<512xi32, #tpu.memory_space<hbm>>) dst(%arg14 : memref<512xi32, #tpu.memory_space<vmem>>)
    %dma_wait3A_13 = tpu.memref_slice %arg4[%mul3A_2] : memref<16384xi32, #tpu.memory_space<hbm>> -> memref<512xi32, #tpu.memory_space<hbm>>
    %dma_wait3A_14 = tpu.memref_slice %arg4[%mul3A_2] : memref<16384xi32, #tpu.memory_space<hbm>> -> memref<512xi32, #tpu.memory_space<hbm>>
    tpu.wait_dma2 semaphore(%arg34 : memref<!tpu.dma_semaphore, #tpu.memory_space<semaphore_mem>>) src(%dma_wait3A_14 : memref<512xi32, #tpu.memory_space<hbm>>) dst(%arg15 : memref<512xi32, #tpu.memory_space<vmem>>)
    %dma_wait3A_15 = tpu.memref_slice %arg5[%mul3A_2] : memref<16384xi32, #tpu.memory_space<hbm>> -> memref<512xi32, #tpu.memory_space<hbm>>
    %dma_wait3A_16 = tpu.memref_slice %arg5[%mul3A_2] : memref<16384xi32, #tpu.memory_space<hbm>> -> memref<512xi32, #tpu.memory_space<hbm>>
    tpu.wait_dma2 semaphore(%arg34 : memref<!tpu.dma_semaphore, #tpu.memory_space<semaphore_mem>>) src(%dma_wait3A_16 : memref<512xi32, #tpu.memory_space<hbm>>) dst(%arg16 : memref<512xi32, #tpu.memory_space<vmem>>)
    %iota3A = tpu.iota {dimensions = array<i32: 0>} : vector<16xi32>
    %dma_start3A_17 = arith.constant 0 : i32
    %dma_start3A_18 = tpu.memref_slice %arg13[%dma_start3A_17] : memref<512xi32, #tpu.memory_space<vmem>> -> memref<32xi32, #tpu.memory_space<vmem>>
    %dma_start3A_19 = arith.constant 0 : i32
    %dma_start3A_20 = arith.constant 0 : i32
    %dma_start3A_21 = tpu.memref_slice %arg6[%dma_start3A_19, %dma_start3A_20] : memref<100000x128xf32, #tpu.memory_space<hbm>> -> memref<100000x128xf32, #tpu.memory_space<hbm>>
    tpu.enqueue_indirect_dma source(%dma_start3A_21 : memref<100000x128xf32, #tpu.memory_space<hbm>>) target(%arg17 : memref<32x128xf32, #tpu.memory_space<vmem>>) offsets(%dma_start3A_18 : memref<32xi32, #tpu.memory_space<vmem>>) semaphore(%arg34 : memref<!tpu.dma_semaphore, #tpu.memory_space<semaphore_mem>>)
    %dma_start3A_22 = arith.constant 0 : i32
    %dma_start3A_23 = tpu.memref_slice %arg13[%dma_start3A_22] : memref<512xi32, #tpu.memory_space<vmem>> -> memref<32xi32, #tpu.memory_space<vmem>>
    %dma_start3A_24 = arith.constant 0 : i32
    %dma_start3A_25 = arith.constant 0 : i32
    %dma_start3A_26 = tpu.memref_slice %arg7[%dma_start3A_24, %dma_start3A_25] : memref<100000x128xf32, #tpu.memory_space<hbm>> -> memref<100000x128xf32, #tpu.memory_space<hbm>>
    tpu.enqueue_indirect_dma source(%dma_start3A_26 : memref<100000x128xf32, #tpu.memory_space<hbm>>) target(%arg18 : memref<32x128xf32, #tpu.memory_space<vmem>>) offsets(%dma_start3A_23 : memref<32xi32, #tpu.memory_space<vmem>>) semaphore(%arg34 : memref<!tpu.dma_semaphore, #tpu.memory_space<semaphore_mem>>)
    %dma_start3A_27 = arith.constant 0 : i32
    %dma_start3A_28 = tpu.memref_slice %arg14[%dma_start3A_27] : memref<512xi32, #tpu.memory_space<vmem>> -> memref<32xi32, #tpu.memory_space<vmem>>
    %dma_start3A_29 = arith.constant 0 : i32
    %dma_start3A_30 = arith.constant 0 : i32
    %dma_start3A_31 = tpu.memref_slice %arg8[%dma_start3A_29, %dma_start3A_30] : memref<1000x128xf32, #tpu.memory_space<hbm>> -> memref<1000x128xf32, #tpu.memory_space<hbm>>
    tpu.enqueue_indirect_dma source(%dma_start3A_31 : memref<1000x128xf32, #tpu.memory_space<hbm>>) target(%arg19 : memref<32x128xf32, #tpu.memory_space<vmem>>) offsets(%dma_start3A_28 : memref<32xi32, #tpu.memory_space<vmem>>) semaphore(%arg34 : memref<!tpu.dma_semaphore, #tpu.memory_space<semaphore_mem>>)
    %dma_start3A_32 = arith.constant 0 : i32
    %dma_start3A_33 = tpu.memref_slice %arg14[%dma_start3A_32] : memref<512xi32, #tpu.memory_space<vmem>> -> memref<32xi32, #tpu.memory_space<vmem>>
    %dma_start3A_34 = arith.constant 0 : i32
    %dma_start3A_35 = arith.constant 0 : i32
    %dma_start3A_36 = tpu.memref_slice %arg9[%dma_start3A_34, %dma_start3A_35] : memref<1000x128xf32, #tpu.memory_space<hbm>> -> memref<1000x128xf32, #tpu.memory_space<hbm>>
    tpu.enqueue_indirect_dma source(%dma_start3A_36 : memref<1000x128xf32, #tpu.memory_space<hbm>>) target(%arg20 : memref<32x128xf32, #tpu.memory_space<vmem>>) offsets(%dma_start3A_33 : memref<32xi32, #tpu.memory_space<vmem>>) semaphore(%arg34 : memref<!tpu.dma_semaphore, #tpu.memory_space<semaphore_mem>>)
    %dma_start3A_37 = arith.constant 0 : i32
    %dma_start3A_38 = tpu.memref_slice %arg15[%dma_start3A_37] : memref<512xi32, #tpu.memory_space<vmem>> -> memref<32xi32, #tpu.memory_space<vmem>>
    %dma_start3A_39 = arith.constant 0 : i32
    %dma_start3A_40 = arith.constant 0 : i32
    %dma_start3A_41 = tpu.memref_slice %arg6[%dma_start3A_39, %dma_start3A_40] : memref<100000x128xf32, #tpu.memory_space<hbm>> -> memref<100000x128xf32, #tpu.memory_space<hbm>>
    tpu.enqueue_indirect_dma source(%dma_start3A_41 : memref<100000x128xf32, #tpu.memory_space<hbm>>) target(%arg21 : memref<32x128xf32, #tpu.memory_space<vmem>>) offsets(%dma_start3A_38 : memref<32xi32, #tpu.memory_space<vmem>>) semaphore(%arg34 : memref<!tpu.dma_semaphore, #tpu.memory_space<semaphore_mem>>)
    %dma_start3A_42 = arith.constant 0 : i32
    %dma_start3A_43 = tpu.memref_slice %arg15[%dma_start3A_42] : memref<512xi32, #tpu.memory_space<vmem>> -> memref<32xi32, #tpu.memory_space<vmem>>
    %dma_start3A_44 = arith.constant 0 : i32
    %dma_start3A_45 = arith.constant 0 : i32
    %dma_start3A_46 = tpu.memref_slice %arg7[%dma_start3A_44, %dma_start3A_45] : memref<100000x128xf32, #tpu.memory_space<hbm>> -> memref<100000x128xf32, #tpu.memory_space<hbm>>
    tpu.enqueue_indirect_dma source(%dma_start3A_46 : memref<100000x128xf32, #tpu.memory_space<hbm>>) target(%arg22 : memref<32x128xf32, #tpu.memory_space<vmem>>) offsets(%dma_start3A_43 : memref<32xi32, #tpu.memory_space<vmem>>) semaphore(%arg34 : memref<!tpu.dma_semaphore, #tpu.memory_space<semaphore_mem>>)
    %dma_start3A_47 = arith.constant 0 : i32
    %dma_start3A_48 = tpu.memref_slice %arg16[%dma_start3A_47] : memref<512xi32, #tpu.memory_space<vmem>> -> memref<32xi32, #tpu.memory_space<vmem>>
    %dma_start3A_49 = arith.constant 0 : i32
    %dma_start3A_50 = arith.constant 0 : i32
    %dma_start3A_51 = tpu.memref_slice %arg10[%dma_start3A_49, %dma_start3A_50] : memref<367x128xf32, #tpu.memory_space<hbm>> -> memref<367x128xf32, #tpu.memory_space<hbm>>
    tpu.enqueue_indirect_dma source(%dma_start3A_51 : memref<367x128xf32, #tpu.memory_space<hbm>>) target(%arg23 : memref<32x128xf32, #tpu.memory_space<vmem>>) offsets(%dma_start3A_48 : memref<32xi32, #tpu.memory_space<vmem>>) semaphore(%arg34 : memref<!tpu.dma_semaphore, #tpu.memory_space<semaphore_mem>>)
    %dma_start3A_52 = arith.constant 0 : i32
    %dma_start3A_53 = tpu.memref_slice %arg16[%dma_start3A_52] : memref<512xi32, #tpu.memory_space<vmem>> -> memref<32xi32, #tpu.memory_space<vmem>>
    %dma_start3A_54 = arith.constant 0 : i32
    %dma_start3A_55 = arith.constant 0 : i32
    %dma_start3A_56 = tpu.memref_slice %arg11[%dma_start3A_54, %dma_start3A_55] : memref<367x128xf32, #tpu.memory_space<hbm>> -> memref<367x128xf32, #tpu.memory_space<hbm>>
    tpu.enqueue_indirect_dma source(%dma_start3A_56 : memref<367x128xf32, #tpu.memory_space<hbm>>) target(%arg24 : memref<32x128xf32, #tpu.memory_space<vmem>>) offsets(%dma_start3A_53 : memref<32xi32, #tpu.memory_space<vmem>>) semaphore(%arg34 : memref<!tpu.dma_semaphore, #tpu.memory_space<semaphore_mem>>)
    %dma_start3A_57 = arith.constant 32 : i32
    %dma_start3A_58 = tpu.memref_slice %arg13[%dma_start3A_57] : memref<512xi32, #tpu.memory_space<vmem>> -> memref<32xi32, #tpu.memory_space<vmem>>
    %dma_start3A_59 = arith.constant 0 : i32
    %dma_start3A_60 = arith.constant 0 : i32
    %dma_start3A_61 = tpu.memref_slice %arg6[%dma_start3A_59, %dma_start3A_60] : memref<100000x128xf32, #tpu.memory_space<hbm>> -> memref<100000x128xf32, #tpu.memory_space<hbm>>
    tpu.enqueue_indirect_dma source(%dma_start3A_61 : memref<100000x128xf32, #tpu.memory_space<hbm>>) target(%arg25 : memref<32x128xf32, #tpu.memory_space<vmem>>) offsets(%dma_start3A_58 : memref<32xi32, #tpu.memory_space<vmem>>) semaphore(%arg35 : memref<!tpu.dma_semaphore, #tpu.memory_space<semaphore_mem>>)
    %dma_start3A_62 = arith.constant 32 : i32
    %dma_start3A_63 = tpu.memref_slice %arg13[%dma_start3A_62] : memref<512xi32, #tpu.memory_space<vmem>> -> memref<32xi32, #tpu.memory_space<vmem>>
    %dma_start3A_64 = arith.constant 0 : i32
    %dma_start3A_65 = arith.constant 0 : i32
    %dma_start3A_66 = tpu.memref_slice %arg7[%dma_start3A_64, %dma_start3A_65] : memref<100000x128xf32, #tpu.memory_space<hbm>> -> memref<100000x128xf32, #tpu.memory_space<hbm>>
    tpu.enqueue_indirect_dma source(%dma_start3A_66 : memref<100000x128xf32, #tpu.memory_space<hbm>>) target(%arg26 : memref<32x128xf32, #tpu.memory_space<vmem>>) offsets(%dma_start3A_63 : memref<32xi32, #tpu.memory_space<vmem>>) semaphore(%arg35 : memref<!tpu.dma_semaphore, #tpu.memory_space<semaphore_mem>>)
    %dma_start3A_67 = arith.constant 32 : i32
    %dma_start3A_68 = tpu.memref_slice %arg14[%dma_start3A_67] : memref<512xi32, #tpu.memory_space<vmem>> -> memref<32xi32, #tpu.memory_space<vmem>>
    %dma_start3A_69 = arith.constant 0 : i32
    %dma_start3A_70 = arith.constant 0 : i32
    %dma_start3A_71 = tpu.memref_slice %arg8[%dma_start3A_69, %dma_start3A_70] : memref<1000x128xf32, #tpu.memory_space<hbm>> -> memref<1000x128xf32, #tpu.memory_space<hbm>>
    tpu.enqueue_indirect_dma source(%dma_start3A_71 : memref<1000x128xf32, #tpu.memory_space<hbm>>) target(%arg27 : memref<32x128xf32, #tpu.memory_space<vmem>>) offsets(%dma_start3A_68 : memref<32xi32, #tpu.memory_space<vmem>>) semaphore(%arg35 : memref<!tpu.dma_semaphore, #tpu.memory_space<semaphore_mem>>)
    %dma_start3A_72 = arith.constant 32 : i32
    %dma_start3A_73 = tpu.memref_slice %arg14[%dma_start3A_72] : memref<512xi32, #tpu.memory_space<vmem>> -> memref<32xi32, #tpu.memory_space<vmem>>
    %dma_start3A_74 = arith.constant 0 : i32
    %dma_start3A_75 = arith.constant 0 : i32
    %dma_start3A_76 = tpu.memref_slice %arg9[%dma_start3A_74, %dma_start3A_75] : memref<1000x128xf32, #tpu.memory_space<hbm>> -> memref<1000x128xf32, #tpu.memory_space<hbm>>
    tpu.enqueue_indirect_dma source(%dma_start3A_76 : memref<1000x128xf32, #tpu.memory_space<hbm>>) target(%arg28 : memref<32x128xf32, #tpu.memory_space<vmem>>) offsets(%dma_start3A_73 : memref<32xi32, #tpu.memory_space<vmem>>) semaphore(%arg35 : memref<!tpu.dma_semaphore, #tpu.memory_space<semaphore_mem>>)
    %dma_start3A_77 = arith.constant 32 : i32
    %dma_start3A_78 = tpu.memref_slice %arg15[%dma_start3A_77] : memref<512xi32, #tpu.memory_space<vmem>> -> memref<32xi32, #tpu.memory_space<vmem>>
    %dma_start3A_79 = arith.constant 0 : i32
    %dma_start3A_80 = arith.constant 0 : i32
    %dma_start3A_81 = tpu.memref_slice %arg6[%dma_start3A_79, %dma_start3A_80] : memref<100000x128xf32, #tpu.memory_space<hbm>> -> memref<100000x128xf32, #tpu.memory_space<hbm>>
    tpu.enqueue_indirect_dma source(%dma_start3A_81 : memref<100000x128xf32, #tpu.memory_space<hbm>>) target(%arg29 : memref<32x128xf32, #tpu.memory_space<vmem>>) offsets(%dma_start3A_78 : memref<32xi32, #tpu.memory_space<vmem>>) semaphore(%arg35 : memref<!tpu.dma_semaphore, #tpu.memory_space<semaphore_mem>>)
    %dma_start3A_82 = arith.constant 32 : i32
    %dma_start3A_83 = tpu.memref_slice %arg15[%dma_start3A_82] : memref<512xi32, #tpu.memory_space<vmem>> -> memref<32xi32, #tpu.memory_space<vmem>>
    %dma_start3A_84 = arith.constant 0 : i32
    %dma_start3A_85 = arith.constant 0 : i32
    %dma_start3A_86 = tpu.memref_slice %arg7[%dma_start3A_84, %dma_start3A_85] : memref<100000x128xf32, #tpu.memory_space<hbm>> -> memref<100000x128xf32, #tpu.memory_space<hbm>>
    tpu.enqueue_indirect_dma source(%dma_start3A_86 : memref<100000x128xf32, #tpu.memory_space<hbm>>) target(%arg30 : memref<32x128xf32, #tpu.memory_space<vmem>>) offsets(%dma_start3A_83 : memref<32xi32, #tpu.memory_space<vmem>>) semaphore(%arg35 : memref<!tpu.dma_semaphore, #tpu.memory_space<semaphore_mem>>)
    %dma_start3A_87 = arith.constant 32 : i32
    %dma_start3A_88 = tpu.memref_slice %arg16[%dma_start3A_87] : memref<512xi32, #tpu.memory_space<vmem>> -> memref<32xi32, #tpu.memory_space<vmem>>
    %dma_start3A_89 = arith.constant 0 : i32
    %dma_start3A_90 = arith.constant 0 : i32
    %dma_start3A_91 = tpu.memref_slice %arg10[%dma_start3A_89, %dma_start3A_90] : memref<367x128xf32, #tpu.memory_space<hbm>> -> memref<367x128xf32, #tpu.memory_space<hbm>>
    tpu.enqueue_indirect_dma source(%dma_start3A_91 : memref<367x128xf32, #tpu.memory_space<hbm>>) target(%arg31 : memref<32x128xf32, #tpu.memory_space<vmem>>) offsets(%dma_start3A_88 : memref<32xi32, #tpu.memory_space<vmem>>) semaphore(%arg35 : memref<!tpu.dma_semaphore, #tpu.memory_space<semaphore_mem>>)
    %dma_start3A_92 = arith.constant 32 : i32
    %dma_start3A_93 = tpu.memref_slice %arg16[%dma_start3A_92] : memref<512xi32, #tpu.memory_space<vmem>> -> memref<32xi32, #tpu.memory_space<vmem>>
    %dma_start3A_94 = arith.constant 0 : i32
    %dma_start3A_95 = arith.constant 0 : i32
    %dma_start3A_96 = tpu.memref_slice %arg11[%dma_start3A_94, %dma_start3A_95] : memref<367x128xf32, #tpu.memory_space<hbm>> -> memref<367x128xf32, #tpu.memory_space<hbm>>
    tpu.enqueue_indirect_dma source(%dma_start3A_96 : memref<367x128xf32, #tpu.memory_space<hbm>>) target(%arg32 : memref<32x128xf32, #tpu.memory_space<vmem>>) offsets(%dma_start3A_93 : memref<32xi32, #tpu.memory_space<vmem>>) semaphore(%arg35 : memref<!tpu.dma_semaphore, #tpu.memory_space<semaphore_mem>>)
    %scan3A = arith.constant 0 : i32
    %scan3A_97 = arith.constant 0 : i32
    %scan3A_98 = arith.constant 8 : i32
    %scan3A_99 = arith.addi %scan3A_97, %scan3A_98 : i32
    %scan3A_100 = arith.constant 1 : i32
    scf.for %scan3A_102 = %scan3A_97 to %scan3A_99 step %scan3A_100  : i32 {
      %mul3A_103 = arith.constant 2 : i32
      %mul3A_104 = arith.muli %mul3A_103, %scan3A_102 : i32
      %add3A_105 = arith.constant 0 : i32
      %add3A_106 = arith.addi %mul3A_104, %add3A_105 : i32
      %mul3A_107 = arith.constant 32 : i32
      %mul3A_108 = arith.muli %add3A_106, %mul3A_107 : i32
      %dma_wait3A_109 = tpu.memref_slice %arg13[%mul3A_108] : memref<512xi32, #tpu.memory_space<vmem>> -> memref<32xi32, #tpu.memory_space<vmem>>
      %dma_wait3A_110 = arith.constant 0 : i32
      %dma_wait3A_111 = arith.constant 0 : i32
      %dma_wait3A_112 = tpu.memref_slice %arg6[%dma_wait3A_110, %dma_wait3A_111] : memref<100000x128xf32, #tpu.memory_space<hbm>> -> memref<100000x128xf32, #tpu.memory_space<hbm>>
      tpu.wait_indirect_dma semaphore(%arg34 : memref<!tpu.dma_semaphore, #tpu.memory_space<semaphore_mem>>) src(%dma_wait3A_112 : memref<100000x128xf32, #tpu.memory_space<hbm>>) dst(%arg17 : memref<32x128xf32, #tpu.memory_space<vmem>>)
      %dma_wait3A_113 = tpu.memref_slice %arg13[%mul3A_108] : memref<512xi32, #tpu.memory_space<vmem>> -> memref<32xi32, #tpu.memory_space<vmem>>
      %dma_wait3A_114 = arith.constant 0 : i32
      %dma_wait3A_115 = arith.constant 0 : i32
      %dma_wait3A_116 = tpu.memref_slice %arg7[%dma_wait3A_114, %dma_wait3A_115] : memref<100000x128xf32, #tpu.memory_space<hbm>> -> memref<100000x128xf32, #tpu.memory_space<hbm>>
      tpu.wait_indirect_dma semaphore(%arg34 : memref<!tpu.dma_semaphore, #tpu.memory_space<semaphore_mem>>) src(%dma_wait3A_116 : memref<100000x128xf32, #tpu.memory_space<hbm>>) dst(%arg18 : memref<32x128xf32, #tpu.memory_space<vmem>>)
      %dma_wait3A_117 = tpu.memref_slice %arg14[%mul3A_108] : memref<512xi32, #tpu.memory_space<vmem>> -> memref<32xi32, #tpu.memory_space<vmem>>
      %dma_wait3A_118 = arith.constant 0 : i32
      %dma_wait3A_119 = arith.constant 0 : i32
      %dma_wait3A_120 = tpu.memref_slice %arg8[%dma_wait3A_118, %dma_wait3A_119] : memref<1000x128xf32, #tpu.memory_space<hbm>> -> memref<1000x128xf32, #tpu.memory_space<hbm>>
      tpu.wait_indirect_dma semaphore(%arg34 : memref<!tpu.dma_semaphore, #tpu.memory_space<semaphore_mem>>) src(%dma_wait3A_120 : memref<1000x128xf32, #tpu.memory_space<hbm>>) dst(%arg19 : memref<32x128xf32, #tpu.memory_space<vmem>>)
      %dma_wait3A_121 = tpu.memref_slice %arg14[%mul3A_108] : memref<512xi32, #tpu.memory_space<vmem>> -> memref<32xi32, #tpu.memory_space<vmem>>
      %dma_wait3A_122 = arith.constant 0 : i32
      %dma_wait3A_123 = arith.constant 0 : i32
      %dma_wait3A_124 = tpu.memref_slice %arg9[%dma_wait3A_122, %dma_wait3A_123] : memref<1000x128xf32, #tpu.memory_space<hbm>> -> memref<1000x128xf32, #tpu.memory_space<hbm>>
      tpu.wait_indirect_dma semaphore(%arg34 : memref<!tpu.dma_semaphore, #tpu.memory_space<semaphore_mem>>) src(%dma_wait3A_124 : memref<1000x128xf32, #tpu.memory_space<hbm>>) dst(%arg20 : memref<32x128xf32, #tpu.memory_space<vmem>>)
      %dma_wait3A_125 = tpu.memref_slice %arg15[%mul3A_108] : memref<512xi32, #tpu.memory_space<vmem>> -> memref<32xi32, #tpu.memory_space<vmem>>
      %dma_wait3A_126 = arith.constant 0 : i32
      %dma_wait3A_127 = arith.constant 0 : i32
      %dma_wait3A_128 = tpu.memref_slice %arg6[%dma_wait3A_126, %dma_wait3A_127] : memref<100000x128xf32, #tpu.memory_space<hbm>> -> memref<100000x128xf32, #tpu.memory_space<hbm>>
      tpu.wait_indirect_dma semaphore(%arg34 : memref<!tpu.dma_semaphore, #tpu.memory_space<semaphore_mem>>) src(%dma_wait3A_128 : memref<100000x128xf32, #tpu.memory_space<hbm>>) dst(%arg21 : memref<32x128xf32, #tpu.memory_space<vmem>>)
      %dma_wait3A_129 = tpu.memref_slice %arg15[%mul3A_108] : memref<512xi32, #tpu.memory_space<vmem>> -> memref<32xi32, #tpu.memory_space<vmem>>
      %dma_wait3A_130 = arith.constant 0 : i32
      %dma_wait3A_131 = arith.constant 0 : i32
      %dma_wait3A_132 = tpu.memref_slice %arg7[%dma_wait3A_130, %dma_wait3A_131] : memref<100000x128xf32, #tpu.memory_space<hbm>> -> memref<100000x128xf32, #tpu.memory_space<hbm>>
      tpu.wait_indirect_dma semaphore(%arg34 : memref<!tpu.dma_semaphore, #tpu.memory_space<semaphore_mem>>) src(%dma_wait3A_132 : memref<100000x128xf32, #tpu.memory_space<hbm>>) dst(%arg22 : memref<32x128xf32, #tpu.memory_space<vmem>>)
      %dma_wait3A_133 = tpu.memref_slice %arg16[%mul3A_108] : memref<512xi32, #tpu.memory_space<vmem>> -> memref<32xi32, #tpu.memory_space<vmem>>
      %dma_wait3A_134 = arith.constant 0 : i32
      %dma_wait3A_135 = arith.constant 0 : i32
      %dma_wait3A_136 = tpu.memref_slice %arg10[%dma_wait3A_134, %dma_wait3A_135] : memref<367x128xf32, #tpu.memory_space<hbm>> -> memref<367x128xf32, #tpu.memory_space<hbm>>
      tpu.wait_indirect_dma semaphore(%arg34 : memref<!tpu.dma_semaphore, #tpu.memory_space<semaphore_mem>>) src(%dma_wait3A_136 : memref<367x128xf32, #tpu.memory_space<hbm>>) dst(%arg23 : memref<32x128xf32, #tpu.memory_space<vmem>>)
      %dma_wait3A_137 = tpu.memref_slice %arg16[%mul3A_108] : memref<512xi32, #tpu.memory_space<vmem>> -> memref<32xi32, #tpu.memory_space<vmem>>
      %dma_wait3A_138 = arith.constant 0 : i32
      %dma_wait3A_139 = arith.constant 0 : i32
      %dma_wait3A_140 = tpu.memref_slice %arg11[%dma_wait3A_138, %dma_wait3A_139] : memref<367x128xf32, #tpu.memory_space<hbm>> -> memref<367x128xf32, #tpu.memory_space<hbm>>
      tpu.wait_indirect_dma semaphore(%arg34 : memref<!tpu.dma_semaphore, #tpu.memory_space<semaphore_mem>>) src(%dma_wait3A_140 : memref<367x128xf32, #tpu.memory_space<hbm>>) dst(%arg24 : memref<32x128xf32, #tpu.memory_space<vmem>>)
      %add3A_141 = arith.constant 0 : i32
      %add3A_142 = vector.broadcast %add3A_141 : i32 to vector<16xi32>
      %add3A_143 = arith.addi %add3A_142, %iota3A : vector<16xi32>
      %add3A_144 = arith.constant 16 : i32
      %add3A_145 = vector.broadcast %add3A_144 : i32 to vector<16xi32>
      %add3A_146 = arith.addi %add3A_145, %iota3A : vector<16xi32>
      %broadcast_in_dim3A = arith.constant 0.000000e+00 : f32
      %broadcast_in_dim3A_147 = vector.broadcast %broadcast_in_dim3A : f32 to vector<16xf32>
      %broadcast_in_dim3A_148 = arith.constant 0.000000e+00 : f32
      %broadcast_in_dim3A_149 = vector.broadcast %broadcast_in_dim3A_148 : f32 to vector<16xf32>
      %scan3A_150 = arith.constant 0 : i32
      %scan3A_151 = arith.constant 128 : i32
      %scan3A_152 = arith.addi %scan3A_150, %scan3A_151 : i32
      %scan3A_153 = arith.constant 1 : i32
      %scan3A_154:2 = scf.for %scan3A_244 = %scan3A_150 to %scan3A_152 step %scan3A_153 iter_args(%scan3A_245 = %broadcast_in_dim3A_147, %scan3A_246 = %broadcast_in_dim3A_149) -> (vector<16xf32>, vector<16xf32>)  : i32 {
        %add3A_247 = vector.broadcast %scan3A_244 : i32 to vector<16xi32>
        %add3A_248 = arith.addi %add3A_247, %iota3A : vector<16xi32>
        %and3A = arith.constant 127 : i32
        %and3A_249 = vector.broadcast %and3A : i32 to vector<16xi32>
        %and3A_250 = arith.andi %add3A_248, %and3A_249 : vector<16xi32>
        %gather3A = tpu.vector_load_idx %arg17[%add3A_143, %and3A_250] : memref<32x128xf32, #tpu.memory_space<vmem>>[vector<16xi32>, vector<16xi32>], vector<16xf32>,
        %gather3A_251 = tpu.vector_load_idx %arg18[%add3A_143, %and3A_250] : memref<32x128xf32, #tpu.memory_space<vmem>>[vector<16xi32>, vector<16xi32>], vector<16xf32>,
        %gather3A_252 = tpu.vector_load_idx %arg19[%add3A_143, %and3A_250] : memref<32x128xf32, #tpu.memory_space<vmem>>[vector<16xi32>, vector<16xi32>], vector<16xf32>,
        %gather3A_253 = tpu.vector_load_idx %arg20[%add3A_143, %and3A_250] : memref<32x128xf32, #tpu.memory_space<vmem>>[vector<16xi32>, vector<16xi32>], vector<16xf32>,
        %gather3A_254 = tpu.vector_load_idx %arg21[%add3A_143, %and3A_250] : memref<32x128xf32, #tpu.memory_space<vmem>>[vector<16xi32>, vector<16xi32>], vector<16xf32>,
        %gather3A_255 = tpu.vector_load_idx %arg22[%add3A_143, %and3A_250] : memref<32x128xf32, #tpu.memory_space<vmem>>[vector<16xi32>, vector<16xi32>], vector<16xf32>,
        %gather3A_256 = tpu.vector_load_idx %arg23[%add3A_143, %and3A_250] : memref<32x128xf32, #tpu.memory_space<vmem>>[vector<16xi32>, vector<16xi32>], vector<16xf32>,
        %gather3A_257 = tpu.vector_load_idx %arg24[%add3A_143, %and3A_250] : memref<32x128xf32, #tpu.memory_space<vmem>>[vector<16xi32>, vector<16xi32>], vector<16xf32>,
        %mul3A_258 = arith.mulf %gather3A, %gather3A_254 : vector<16xf32>
        %mul3A_259 = arith.mulf %gather3A_251, %gather3A_255 : vector<16xf32>
        %add3A_260 = arith.addf %mul3A_258, %mul3A_259 : vector<16xf32>
        %mul3A_261 = arith.mulf %gather3A_251, %gather3A_254 : vector<16xf32>
        %mul3A_262 = arith.mulf %gather3A, %gather3A_255 : vector<16xf32>
        %sub3A = arith.subf %mul3A_261, %mul3A_262 : vector<16xf32>
        %mul3A_263 = arith.mulf %gather3A_252, %gather3A_256 : vector<16xf32>
        %mul3A_264 = arith.mulf %gather3A_253, %gather3A_257 : vector<16xf32>
        %sub3A_265 = arith.subf %mul3A_263, %mul3A_264 : vector<16xf32>
        %mul3A_266 = arith.mulf %gather3A_252, %gather3A_257 : vector<16xf32>
        %mul3A_267 = arith.mulf %gather3A_253, %gather3A_256 : vector<16xf32>
        %add3A_268 = arith.addf %mul3A_266, %mul3A_267 : vector<16xf32>
        %mul3A_269 = arith.mulf %add3A_260, %sub3A_265 : vector<16xf32>
        %mul3A_270 = arith.mulf %sub3A, %add3A_268 : vector<16xf32>
        %sub3A_271 = arith.subf %mul3A_269, %mul3A_270 : vector<16xf32>
        %add3A_272 = arith.addf %scan3A_245, %sub3A_271 : vector<16xf32>
        %gather3A_273 = tpu.vector_load_idx %arg17[%add3A_146, %and3A_250] : memref<32x128xf32, #tpu.memory_space<vmem>>[vector<16xi32>, vector<16xi32>], vector<16xf32>,
        %gather3A_274 = tpu.vector_load_idx %arg18[%add3A_146, %and3A_250] : memref<32x128xf32, #tpu.memory_space<vmem>>[vector<16xi32>, vector<16xi32>], vector<16xf32>,
        %gather3A_275 = tpu.vector_load_idx %arg19[%add3A_146, %and3A_250] : memref<32x128xf32, #tpu.memory_space<vmem>>[vector<16xi32>, vector<16xi32>], vector<16xf32>,
        %gather3A_276 = tpu.vector_load_idx %arg20[%add3A_146, %and3A_250] : memref<32x128xf32, #tpu.memory_space<vmem>>[vector<16xi32>, vector<16xi32>], vector<16xf32>,
        %gather3A_277 = tpu.vector_load_idx %arg21[%add3A_146, %and3A_250] : memref<32x128xf32, #tpu.memory_space<vmem>>[vector<16xi32>, vector<16xi32>], vector<16xf32>,
        %gather3A_278 = tpu.vector_load_idx %arg22[%add3A_146, %and3A_250] : memref<32x128xf32, #tpu.memory_space<vmem>>[vector<16xi32>, vector<16xi32>], vector<16xf32>,
        %gather3A_279 = tpu.vector_load_idx %arg23[%add3A_146, %and3A_250] : memref<32x128xf32, #tpu.memory_space<vmem>>[vector<16xi32>, vector<16xi32>], vector<16xf32>,
        %gather3A_280 = tpu.vector_load_idx %arg24[%add3A_146, %and3A_250] : memref<32x128xf32, #tpu.memory_space<vmem>>[vector<16xi32>, vector<16xi32>], vector<16xf32>,
        %mul3A_281 = arith.mulf %gather3A_273, %gather3A_277 : vector<16xf32>
        %mul3A_282 = arith.mulf %gather3A_274, %gather3A_278 : vector<16xf32>
        %add3A_283 = arith.addf %mul3A_281, %mul3A_282 : vector<16xf32>
        %mul3A_284 = arith.mulf %gather3A_274, %gather3A_277 : vector<16xf32>
        %mul3A_285 = arith.mulf %gather3A_273, %gather3A_278 : vector<16xf32>
        %sub3A_286 = arith.subf %mul3A_284, %mul3A_285 : vector<16xf32>
        %mul3A_287 = arith.mulf %gather3A_275, %gather3A_279 : vector<16xf32>
        %mul3A_288 = arith.mulf %gather3A_276, %gather3A_280 : vector<16xf32>
        %sub3A_289 = arith.subf %mul3A_287, %mul3A_288 : vector<16xf32>
        %mul3A_290 = arith.mulf %gather3A_275, %gather3A_280 : vector<16xf32>
        %mul3A_291 = arith.mulf %gather3A_276, %gather3A_279 : vector<16xf32>
        %add3A_292 = arith.addf %mul3A_290, %mul3A_291 : vector<16xf32>
        %mul3A_293 = arith.mulf %add3A_283, %sub3A_289 : vector<16xf32>
        %mul3A_294 = arith.mulf %sub3A_286, %add3A_292 : vector<16xf32>
        %sub3A_295 = arith.subf %mul3A_293, %mul3A_294 : vector<16xf32>
        %add3A_296 = arith.addf %scan3A_246, %sub3A_295 : vector<16xf32>
        scf.yield %add3A_272, %add3A_296 : vector<16xf32>, vector<16xf32>
      }
      %scan3A_155 = arith.constant 128 : i32
      %mul3A_156 = arith.constant 32 : i32
      %mul3A_157 = arith.muli %add3A_106, %mul3A_156 : i32
      %add3A_158 = arith.constant 0 : i32
      %add3A_159 = arith.addi %mul3A_157, %add3A_158 : i32
      %swap3A = arith.index_cast %add3A_159 : i32 to index
      %swap3A_160 = tpu.vector_load %arg33[%swap3A] {strides = array<i32>} : memref<512xf32, #tpu.memory_space<vmem>>, vector<16xf32>,
      tpu.vector_store %arg33[%swap3A], %scan3A_154#0 {strides = array<i32>} : memref<512xf32, #tpu.memory_space<vmem>>, vector<16xf32>,
      %mul3A_161 = arith.constant 32 : i32
      %mul3A_162 = arith.muli %add3A_106, %mul3A_161 : i32
      %add3A_163 = arith.constant 16 : i32
      %add3A_164 = arith.addi %mul3A_162, %add3A_163 : i32
      %swap3A_165 = arith.index_cast %add3A_164 : i32 to index
      %swap3A_166 = tpu.vector_load %arg33[%swap3A_165] {strides = array<i32>} : memref<512xf32, #tpu.memory_space<vmem>>, vector<16xf32>,
      tpu.vector_store %arg33[%swap3A_165], %scan3A_154#1 {strides = array<i32>} : memref<512xf32, #tpu.memory_space<vmem>>, vector<16xf32>,
      %add3A_167 = arith.constant 2 : i32
      %add3A_168 = arith.addi %add3A_106, %add3A_167 : i32
      %lt3A = arith.constant 16 : i32
      %lt3A_169 = arith.cmpi slt, %add3A_168, %lt3A : i32
      %convert_element_type3A = arith.extui %lt3A_169 : i1 to i32
      %cond3A = arith.constant 0 : i32
      %cond3A_170 = arith.cmpi ne, %convert_element_type3A, %cond3A : i32
      scf.if %cond3A_170 {
        %add3A_244 = arith.constant 2 : i32
        %add3A_245 = arith.addi %add3A_106, %add3A_244 : i32
        %mul3A_246 = arith.constant 32 : i32
        %mul3A_247 = arith.muli %add3A_245, %mul3A_246 : i32
        %dma_start3A_248 = tpu.memref_slice %arg13[%mul3A_247] : memref<512xi32, #tpu.memory_space<vmem>> -> memref<32xi32, #tpu.memory_space<vmem>>
        %dma_start3A_249 = arith.constant 0 : i32
        %dma_start3A_250 = arith.constant 0 : i32
        %dma_start3A_251 = tpu.memref_slice %arg6[%dma_start3A_249, %dma_start3A_250] : memref<100000x128xf32, #tpu.memory_space<hbm>> -> memref<100000x128xf32, #tpu.memory_space<hbm>>
        tpu.enqueue_indirect_dma source(%dma_start3A_251 : memref<100000x128xf32, #tpu.memory_space<hbm>>) target(%arg17 : memref<32x128xf32, #tpu.memory_space<vmem>>) offsets(%dma_start3A_248 : memref<32xi32, #tpu.memory_space<vmem>>) semaphore(%arg34 : memref<!tpu.dma_semaphore, #tpu.memory_space<semaphore_mem>>)
        %dma_start3A_252 = tpu.memref_slice %arg13[%mul3A_247] : memref<512xi32, #tpu.memory_space<vmem>> -> memref<32xi32, #tpu.memory_space<vmem>>
        %dma_start3A_253 = arith.constant 0 : i32
        %dma_start3A_254 = arith.constant 0 : i32
        %dma_start3A_255 = tpu.memref_slice %arg7[%dma_start3A_253, %dma_start3A_254] : memref<100000x128xf32, #tpu.memory_space<hbm>> -> memref<100000x128xf32, #tpu.memory_space<hbm>>
        tpu.enqueue_indirect_dma source(%dma_start3A_255 : memref<100000x128xf32, #tpu.memory_space<hbm>>) target(%arg18 : memref<32x128xf32, #tpu.memory_space<vmem>>) offsets(%dma_start3A_252 : memref<32xi32, #tpu.memory_space<vmem>>) semaphore(%arg34 : memref<!tpu.dma_semaphore, #tpu.memory_space<semaphore_mem>>)
        %dma_start3A_256 = tpu.memref_slice %arg14[%mul3A_247] : memref<512xi32, #tpu.memory_space<vmem>> -> memref<32xi32, #tpu.memory_space<vmem>>
        %dma_start3A_257 = arith.constant 0 : i32
        %dma_start3A_258 = arith.constant 0 : i32
        %dma_start3A_259 = tpu.memref_slice %arg8[%dma_start3A_257, %dma_start3A_258] : memref<1000x128xf32, #tpu.memory_space<hbm>> -> memref<1000x128xf32, #tpu.memory_space<hbm>>
        tpu.enqueue_indirect_dma source(%dma_start3A_259 : memref<1000x128xf32, #tpu.memory_space<hbm>>) target(%arg19 : memref<32x128xf32, #tpu.memory_space<vmem>>) offsets(%dma_start3A_256 : memref<32xi32, #tpu.memory_space<vmem>>) semaphore(%arg34 : memref<!tpu.dma_semaphore, #tpu.memory_space<semaphore_mem>>)
        %dma_start3A_260 = tpu.memref_slice %arg14[%mul3A_247] : memref<512xi32, #tpu.memory_space<vmem>> -> memref<32xi32, #tpu.memory_space<vmem>>
        %dma_start3A_261 = arith.constant 0 : i32
        %dma_start3A_262 = arith.constant 0 : i32
        %dma_start3A_263 = tpu.memref_slice %arg9[%dma_start3A_261, %dma_start3A_262] : memref<1000x128xf32, #tpu.memory_space<hbm>> -> memref<1000x128xf32, #tpu.memory_space<hbm>>
        tpu.enqueue_indirect_dma source(%dma_start3A_263 : memref<1000x128xf32, #tpu.memory_space<hbm>>) target(%arg20 : memref<32x128xf32, #tpu.memory_space<vmem>>) offsets(%dma_start3A_260 : memref<32xi32, #tpu.memory_space<vmem>>) semaphore(%arg34 : memref<!tpu.dma_semaphore, #tpu.memory_space<semaphore_mem>>)
        %dma_start3A_264 = tpu.memref_slice %arg15[%mul3A_247] : memref<512xi32, #tpu.memory_space<vmem>> -> memref<32xi32, #tpu.memory_space<vmem>>
        %dma_start3A_265 = arith.constant 0 : i32
        %dma_start3A_266 = arith.constant 0 : i32
        %dma_start3A_267 = tpu.memref_slice %arg6[%dma_start3A_265, %dma_start3A_266] : memref<100000x128xf32, #tpu.memory_space<hbm>> -> memref<100000x128xf32, #tpu.memory_space<hbm>>
        tpu.enqueue_indirect_dma source(%dma_start3A_267 : memref<100000x128xf32, #tpu.memory_space<hbm>>) target(%arg21 : memref<32x128xf32, #tpu.memory_space<vmem>>) offsets(%dma_start3A_264 : memref<32xi32, #tpu.memory_space<vmem>>) semaphore(%arg34 : memref<!tpu.dma_semaphore, #tpu.memory_space<semaphore_mem>>)
        %dma_start3A_268 = tpu.memref_slice %arg15[%mul3A_247] : memref<512xi32, #tpu.memory_space<vmem>> -> memref<32xi32, #tpu.memory_space<vmem>>
        %dma_start3A_269 = arith.constant 0 : i32
        %dma_start3A_270 = arith.constant 0 : i32
        %dma_start3A_271 = tpu.memref_slice %arg7[%dma_start3A_269, %dma_start3A_270] : memref<100000x128xf32, #tpu.memory_space<hbm>> -> memref<100000x128xf32, #tpu.memory_space<hbm>>
        tpu.enqueue_indirect_dma source(%dma_start3A_271 : memref<100000x128xf32, #tpu.memory_space<hbm>>) target(%arg22 : memref<32x128xf32, #tpu.memory_space<vmem>>) offsets(%dma_start3A_268 : memref<32xi32, #tpu.memory_space<vmem>>) semaphore(%arg34 : memref<!tpu.dma_semaphore, #tpu.memory_space<semaphore_mem>>)
        %dma_start3A_272 = tpu.memref_slice %arg16[%mul3A_247] : memref<512xi32, #tpu.memory_space<vmem>> -> memref<32xi32, #tpu.memory_space<vmem>>
        %dma_start3A_273 = arith.constant 0 : i32
        %dma_start3A_274 = arith.constant 0 : i32
        %dma_start3A_275 = tpu.memref_slice %arg10[%dma_start3A_273, %dma_start3A_274] : memref<367x128xf32, #tpu.memory_space<hbm>> -> memref<367x128xf32, #tpu.memory_space<hbm>>
        tpu.enqueue_indirect_dma source(%dma_start3A_275 : memref<367x128xf32, #tpu.memory_space<hbm>>) target(%arg23 : memref<32x128xf32, #tpu.memory_space<vmem>>) offsets(%dma_start3A_272 : memref<32xi32, #tpu.memory_space<vmem>>) semaphore(%arg34 : memref<!tpu.dma_semaphore, #tpu.memory_space<semaphore_mem>>)
        %dma_start3A_276 = tpu.memref_slice %arg16[%mul3A_247] : memref<512xi32, #tpu.memory_space<vmem>> -> memref<32xi32, #tpu.memory_space<vmem>>
        %dma_start3A_277 = arith.constant 0 : i32
        %dma_start3A_278 = arith.constant 0 : i32
        %dma_start3A_279 = tpu.memref_slice %arg11[%dma_start3A_277, %dma_start3A_278] : memref<367x128xf32, #tpu.memory_space<hbm>> -> memref<367x128xf32, #tpu.memory_space<hbm>>
        tpu.enqueue_indirect_dma source(%dma_start3A_279 : memref<367x128xf32, #tpu.memory_space<hbm>>) target(%arg24 : memref<32x128xf32, #tpu.memory_space<vmem>>) offsets(%dma_start3A_276 : memref<32xi32, #tpu.memory_space<vmem>>) semaphore(%arg34 : memref<!tpu.dma_semaphore, #tpu.memory_space<semaphore_mem>>)
      } else {
      }
      %mul3A_171 = arith.constant 2 : i32
      %mul3A_172 = arith.muli %mul3A_171, %scan3A_102 : i32
      %add3A_173 = arith.constant 1 : i32
      %add3A_174 = arith.addi %mul3A_172, %add3A_173 : i32
      %mul3A_175 = arith.constant 32 : i32
      %mul3A_176 = arith.muli %add3A_174, %mul3A_175 : i32
      %dma_wait3A_177 = tpu.memref_slice %arg13[%mul3A_176] : memref<512xi32, #tpu.memory_space<vmem>> -> memref<32xi32, #tpu.memory_space<vmem>>
      %dma_wait3A_178 = arith.constant 0 : i32
      %dma_wait3A_179 = arith.constant 0 : i32
      %dma_wait3A_180 = tpu.memref_slice %arg6[%dma_wait3A_178, %dma_wait3A_179] : memref<100000x128xf32, #tpu.memory_space<hbm>> -> memref<100000x128xf32, #tpu.memory_space<hbm>>
      tpu.wait_indirect_dma semaphore(%arg35 : memref<!tpu.dma_semaphore, #tpu.memory_space<semaphore_mem>>) src(%dma_wait3A_180 : memref<100000x128xf32, #tpu.memory_space<hbm>>) dst(%arg25 : memref<32x128xf32, #tpu.memory_space<vmem>>)
      %dma_wait3A_181 = tpu.memref_slice %arg13[%mul3A_176] : memref<512xi32, #tpu.memory_space<vmem>> -> memref<32xi32, #tpu.memory_space<vmem>>
      %dma_wait3A_182 = arith.constant 0 : i32
      %dma_wait3A_183 = arith.constant 0 : i32
      %dma_wait3A_184 = tpu.memref_slice %arg7[%dma_wait3A_182, %dma_wait3A_183] : memref<100000x128xf32, #tpu.memory_space<hbm>> -> memref<100000x128xf32, #tpu.memory_space<hbm>>
      tpu.wait_indirect_dma semaphore(%arg35 : memref<!tpu.dma_semaphore, #tpu.memory_space<semaphore_mem>>) src(%dma_wait3A_184 : memref<100000x128xf32, #tpu.memory_space<hbm>>) dst(%arg26 : memref<32x128xf32, #tpu.memory_space<vmem>>)
      %dma_wait3A_185 = tpu.memref_slice %arg14[%mul3A_176] : memref<512xi32, #tpu.memory_space<vmem>> -> memref<32xi32, #tpu.memory_space<vmem>>
      %dma_wait3A_186 = arith.constant 0 : i32
      %dma_wait3A_187 = arith.constant 0 : i32
      %dma_wait3A_188 = tpu.memref_slice %arg8[%dma_wait3A_186, %dma_wait3A_187] : memref<1000x128xf32, #tpu.memory_space<hbm>> -> memref<1000x128xf32, #tpu.memory_space<hbm>>
      tpu.wait_indirect_dma semaphore(%arg35 : memref<!tpu.dma_semaphore, #tpu.memory_space<semaphore_mem>>) src(%dma_wait3A_188 : memref<1000x128xf32, #tpu.memory_space<hbm>>) dst(%arg27 : memref<32x128xf32, #tpu.memory_space<vmem>>)
      %dma_wait3A_189 = tpu.memref_slice %arg14[%mul3A_176] : memref<512xi32, #tpu.memory_space<vmem>> -> memref<32xi32, #tpu.memory_space<vmem>>
      %dma_wait3A_190 = arith.constant 0 : i32
      %dma_wait3A_191 = arith.constant 0 : i32
      %dma_wait3A_192 = tpu.memref_slice %arg9[%dma_wait3A_190, %dma_wait3A_191] : memref<1000x128xf32, #tpu.memory_space<hbm>> -> memref<1000x128xf32, #tpu.memory_space<hbm>>
      tpu.wait_indirect_dma semaphore(%arg35 : memref<!tpu.dma_semaphore, #tpu.memory_space<semaphore_mem>>) src(%dma_wait3A_192 : memref<1000x128xf32, #tpu.memory_space<hbm>>) dst(%arg28 : memref<32x128xf32, #tpu.memory_space<vmem>>)
      %dma_wait3A_193 = tpu.memref_slice %arg15[%mul3A_176] : memref<512xi32, #tpu.memory_space<vmem>> -> memref<32xi32, #tpu.memory_space<vmem>>
      %dma_wait3A_194 = arith.constant 0 : i32
      %dma_wait3A_195 = arith.constant 0 : i32
      %dma_wait3A_196 = tpu.memref_slice %arg6[%dma_wait3A_194, %dma_wait3A_195] : memref<100000x128xf32, #tpu.memory_space<hbm>> -> memref<100000x128xf32, #tpu.memory_space<hbm>>
      tpu.wait_indirect_dma semaphore(%arg35 : memref<!tpu.dma_semaphore, #tpu.memory_space<semaphore_mem>>) src(%dma_wait3A_196 : memref<100000x128xf32, #tpu.memory_space<hbm>>) dst(%arg29 : memref<32x128xf32, #tpu.memory_space<vmem>>)
      %dma_wait3A_197 = tpu.memref_slice %arg15[%mul3A_176] : memref<512xi32, #tpu.memory_space<vmem>> -> memref<32xi32, #tpu.memory_space<vmem>>
      %dma_wait3A_198 = arith.constant 0 : i32
      %dma_wait3A_199 = arith.constant 0 : i32
      %dma_wait3A_200 = tpu.memref_slice %arg7[%dma_wait3A_198, %dma_wait3A_199] : memref<100000x128xf32, #tpu.memory_space<hbm>> -> memref<100000x128xf32, #tpu.memory_space<hbm>>
      tpu.wait_indirect_dma semaphore(%arg35 : memref<!tpu.dma_semaphore, #tpu.memory_space<semaphore_mem>>) src(%dma_wait3A_200 : memref<100000x128xf32, #tpu.memory_space<hbm>>) dst(%arg30 : memref<32x128xf32, #tpu.memory_space<vmem>>)
      %dma_wait3A_201 = tpu.memref_slice %arg16[%mul3A_176] : memref<512xi32, #tpu.memory_space<vmem>> -> memref<32xi32, #tpu.memory_space<vmem>>
      %dma_wait3A_202 = arith.constant 0 : i32
      %dma_wait3A_203 = arith.constant 0 : i32
      %dma_wait3A_204 = tpu.memref_slice %arg10[%dma_wait3A_202, %dma_wait3A_203] : memref<367x128xf32, #tpu.memory_space<hbm>> -> memref<367x128xf32, #tpu.memory_space<hbm>>
      tpu.wait_indirect_dma semaphore(%arg35 : memref<!tpu.dma_semaphore, #tpu.memory_space<semaphore_mem>>) src(%dma_wait3A_204 : memref<367x128xf32, #tpu.memory_space<hbm>>) dst(%arg31 : memref<32x128xf32, #tpu.memory_space<vmem>>)
      %dma_wait3A_205 = tpu.memref_slice %arg16[%mul3A_176] : memref<512xi32, #tpu.memory_space<vmem>> -> memref<32xi32, #tpu.memory_space<vmem>>
      %dma_wait3A_206 = arith.constant 0 : i32
      %dma_wait3A_207 = arith.constant 0 : i32
      %dma_wait3A_208 = tpu.memref_slice %arg11[%dma_wait3A_206, %dma_wait3A_207] : memref<367x128xf32, #tpu.memory_space<hbm>> -> memref<367x128xf32, #tpu.memory_space<hbm>>
      tpu.wait_indirect_dma semaphore(%arg35 : memref<!tpu.dma_semaphore, #tpu.memory_space<semaphore_mem>>) src(%dma_wait3A_208 : memref<367x128xf32, #tpu.memory_space<hbm>>) dst(%arg32 : memref<32x128xf32, #tpu.memory_space<vmem>>)
      %add3A_209 = arith.constant 0 : i32
      %add3A_210 = vector.broadcast %add3A_209 : i32 to vector<16xi32>
      %add3A_211 = arith.addi %add3A_210, %iota3A : vector<16xi32>
      %add3A_212 = arith.constant 16 : i32
      %add3A_213 = vector.broadcast %add3A_212 : i32 to vector<16xi32>
      %add3A_214 = arith.addi %add3A_213, %iota3A : vector<16xi32>
      %broadcast_in_dim3A_215 = arith.constant 0.000000e+00 : f32
      %broadcast_in_dim3A_216 = vector.broadcast %broadcast_in_dim3A_215 : f32 to vector<16xf32>
      %broadcast_in_dim3A_217 = arith.constant 0.000000e+00 : f32
      %broadcast_in_dim3A_218 = vector.broadcast %broadcast_in_dim3A_217 : f32 to vector<16xf32>
      %scan3A_219 = arith.constant 0 : i32
      %scan3A_220 = arith.constant 128 : i32
      %scan3A_221 = arith.addi %scan3A_219, %scan3A_220 : i32
      %scan3A_222 = arith.constant 1 : i32
      %scan3A_223:2 = scf.for %scan3A_244 = %scan3A_219 to %scan3A_221 step %scan3A_222 iter_args(%scan3A_245 = %broadcast_in_dim3A_216, %scan3A_246 = %broadcast_in_dim3A_218) -> (vector<16xf32>, vector<16xf32>)  : i32 {
        %add3A_247 = vector.broadcast %scan3A_244 : i32 to vector<16xi32>
        %add3A_248 = arith.addi %add3A_247, %iota3A : vector<16xi32>
        %and3A = arith.constant 127 : i32
        %and3A_249 = vector.broadcast %and3A : i32 to vector<16xi32>
        %and3A_250 = arith.andi %add3A_248, %and3A_249 : vector<16xi32>
        %gather3A = tpu.vector_load_idx %arg25[%add3A_211, %and3A_250] : memref<32x128xf32, #tpu.memory_space<vmem>>[vector<16xi32>, vector<16xi32>], vector<16xf32>,
        %gather3A_251 = tpu.vector_load_idx %arg26[%add3A_211, %and3A_250] : memref<32x128xf32, #tpu.memory_space<vmem>>[vector<16xi32>, vector<16xi32>], vector<16xf32>,
        %gather3A_252 = tpu.vector_load_idx %arg27[%add3A_211, %and3A_250] : memref<32x128xf32, #tpu.memory_space<vmem>>[vector<16xi32>, vector<16xi32>], vector<16xf32>,
        %gather3A_253 = tpu.vector_load_idx %arg28[%add3A_211, %and3A_250] : memref<32x128xf32, #tpu.memory_space<vmem>>[vector<16xi32>, vector<16xi32>], vector<16xf32>,
        %gather3A_254 = tpu.vector_load_idx %arg29[%add3A_211, %and3A_250] : memref<32x128xf32, #tpu.memory_space<vmem>>[vector<16xi32>, vector<16xi32>], vector<16xf32>,
        %gather3A_255 = tpu.vector_load_idx %arg30[%add3A_211, %and3A_250] : memref<32x128xf32, #tpu.memory_space<vmem>>[vector<16xi32>, vector<16xi32>], vector<16xf32>,
        %gather3A_256 = tpu.vector_load_idx %arg31[%add3A_211, %and3A_250] : memref<32x128xf32, #tpu.memory_space<vmem>>[vector<16xi32>, vector<16xi32>], vector<16xf32>,
        %gather3A_257 = tpu.vector_load_idx %arg32[%add3A_211, %and3A_250] : memref<32x128xf32, #tpu.memory_space<vmem>>[vector<16xi32>, vector<16xi32>], vector<16xf32>,
        %mul3A_258 = arith.mulf %gather3A, %gather3A_254 : vector<16xf32>
        %mul3A_259 = arith.mulf %gather3A_251, %gather3A_255 : vector<16xf32>
        %add3A_260 = arith.addf %mul3A_258, %mul3A_259 : vector<16xf32>
        %mul3A_261 = arith.mulf %gather3A_251, %gather3A_254 : vector<16xf32>
        %mul3A_262 = arith.mulf %gather3A, %gather3A_255 : vector<16xf32>
        %sub3A = arith.subf %mul3A_261, %mul3A_262 : vector<16xf32>
        %mul3A_263 = arith.mulf %gather3A_252, %gather3A_256 : vector<16xf32>
        %mul3A_264 = arith.mulf %gather3A_253, %gather3A_257 : vector<16xf32>
        %sub3A_265 = arith.subf %mul3A_263, %mul3A_264 : vector<16xf32>
        %mul3A_266 = arith.mulf %gather3A_252, %gather3A_257 : vector<16xf32>
        %mul3A_267 = arith.mulf %gather3A_253, %gather3A_256 : vector<16xf32>
        %add3A_268 = arith.addf %mul3A_266, %mul3A_267 : vector<16xf32>
        %mul3A_269 = arith.mulf %add3A_260, %sub3A_265 : vector<16xf32>
        %mul3A_270 = arith.mulf %sub3A, %add3A_268 : vector<16xf32>
        %sub3A_271 = arith.subf %mul3A_269, %mul3A_270 : vector<16xf32>
        %add3A_272 = arith.addf %scan3A_245, %sub3A_271 : vector<16xf32>
        %gather3A_273 = tpu.vector_load_idx %arg25[%add3A_214, %and3A_250] : memref<32x128xf32, #tpu.memory_space<vmem>>[vector<16xi32>, vector<16xi32>], vector<16xf32>,
        %gather3A_274 = tpu.vector_load_idx %arg26[%add3A_214, %and3A_250] : memref<32x128xf32, #tpu.memory_space<vmem>>[vector<16xi32>, vector<16xi32>], vector<16xf32>,
        %gather3A_275 = tpu.vector_load_idx %arg27[%add3A_214, %and3A_250] : memref<32x128xf32, #tpu.memory_space<vmem>>[vector<16xi32>, vector<16xi32>], vector<16xf32>,
        %gather3A_276 = tpu.vector_load_idx %arg28[%add3A_214, %and3A_250] : memref<32x128xf32, #tpu.memory_space<vmem>>[vector<16xi32>, vector<16xi32>], vector<16xf32>,
        %gather3A_277 = tpu.vector_load_idx %arg29[%add3A_214, %and3A_250] : memref<32x128xf32, #tpu.memory_space<vmem>>[vector<16xi32>, vector<16xi32>], vector<16xf32>,
        %gather3A_278 = tpu.vector_load_idx %arg30[%add3A_214, %and3A_250] : memref<32x128xf32, #tpu.memory_space<vmem>>[vector<16xi32>, vector<16xi32>], vector<16xf32>,
        %gather3A_279 = tpu.vector_load_idx %arg31[%add3A_214, %and3A_250] : memref<32x128xf32, #tpu.memory_space<vmem>>[vector<16xi32>, vector<16xi32>], vector<16xf32>,
        %gather3A_280 = tpu.vector_load_idx %arg32[%add3A_214, %and3A_250] : memref<32x128xf32, #tpu.memory_space<vmem>>[vector<16xi32>, vector<16xi32>], vector<16xf32>,
        %mul3A_281 = arith.mulf %gather3A_273, %gather3A_277 : vector<16xf32>
        %mul3A_282 = arith.mulf %gather3A_274, %gather3A_278 : vector<16xf32>
        %add3A_283 = arith.addf %mul3A_281, %mul3A_282 : vector<16xf32>
        %mul3A_284 = arith.mulf %gather3A_274, %gather3A_277 : vector<16xf32>
        %mul3A_285 = arith.mulf %gather3A_273, %gather3A_278 : vector<16xf32>
        %sub3A_286 = arith.subf %mul3A_284, %mul3A_285 : vector<16xf32>
        %mul3A_287 = arith.mulf %gather3A_275, %gather3A_279 : vector<16xf32>
        %mul3A_288 = arith.mulf %gather3A_276, %gather3A_280 : vector<16xf32>
        %sub3A_289 = arith.subf %mul3A_287, %mul3A_288 : vector<16xf32>
        %mul3A_290 = arith.mulf %gather3A_275, %gather3A_280 : vector<16xf32>
        %mul3A_291 = arith.mulf %gather3A_276, %gather3A_279 : vector<16xf32>
        %add3A_292 = arith.addf %mul3A_290, %mul3A_291 : vector<16xf32>
        %mul3A_293 = arith.mulf %add3A_283, %sub3A_289 : vector<16xf32>
        %mul3A_294 = arith.mulf %sub3A_286, %add3A_292 : vector<16xf32>
        %sub3A_295 = arith.subf %mul3A_293, %mul3A_294 : vector<16xf32>
        %add3A_296 = arith.addf %scan3A_246, %sub3A_295 : vector<16xf32>
        scf.yield %add3A_272, %add3A_296 : vector<16xf32>, vector<16xf32>
      }
      %scan3A_224 = arith.constant 128 : i32
      %mul3A_225 = arith.constant 32 : i32
      %mul3A_226 = arith.muli %add3A_174, %mul3A_225 : i32
      %add3A_227 = arith.constant 0 : i32
      %add3A_228 = arith.addi %mul3A_226, %add3A_227 : i32
      %swap3A_229 = arith.index_cast %add3A_228 : i32 to index
      %swap3A_230 = tpu.vector_load %arg33[%swap3A_229] {strides = array<i32>} : memref<512xf32, #tpu.memory_space<vmem>>, vector<16xf32>,
      tpu.vector_store %arg33[%swap3A_229], %scan3A_223#0 {strides = array<i32>} : memref<512xf32, #tpu.memory_space<vmem>>, vector<16xf32>,
      %mul3A_231 = arith.constant 32 : i32
      %mul3A_232 = arith.muli %add3A_174, %mul3A_231 : i32
      %add3A_233 = arith.constant 16 : i32
      %add3A_234 = arith.addi %mul3A_232, %add3A_233 : i32
      %swap3A_235 = arith.index_cast %add3A_234 : i32 to index
      %swap3A_236 = tpu.vector_load %arg33[%swap3A_235] {strides = array<i32>} : memref<512xf32, #tpu.memory_space<vmem>>, vector<16xf32>,
      tpu.vector_store %arg33[%swap3A_235], %scan3A_223#1 {strides = array<i32>} : memref<512xf32, #tpu.memory_space<vmem>>, vector<16xf32>,
      %add3A_237 = arith.constant 2 : i32
      %add3A_238 = arith.addi %add3A_174, %add3A_237 : i32
      %lt3A_239 = arith.constant 16 : i32
      %lt3A_240 = arith.cmpi slt, %add3A_238, %lt3A_239 : i32
      %convert_element_type3A_241 = arith.extui %lt3A_240 : i1 to i32
      %cond3A_242 = arith.constant 0 : i32
      %cond3A_243 = arith.cmpi ne, %convert_element_type3A_241, %cond3A_242 : i32
      scf.if %cond3A_243 {
        %add3A_244 = arith.constant 2 : i32
        %add3A_245 = arith.addi %add3A_174, %add3A_244 : i32
        %mul3A_246 = arith.constant 32 : i32
        %mul3A_247 = arith.muli %add3A_245, %mul3A_246 : i32
        %dma_start3A_248 = tpu.memref_slice %arg13[%mul3A_247] : memref<512xi32, #tpu.memory_space<vmem>> -> memref<32xi32, #tpu.memory_space<vmem>>
        %dma_start3A_249 = arith.constant 0 : i32
        %dma_start3A_250 = arith.constant 0 : i32
        %dma_start3A_251 = tpu.memref_slice %arg6[%dma_start3A_249, %dma_start3A_250] : memref<100000x128xf32, #tpu.memory_space<hbm>> -> memref<100000x128xf32, #tpu.memory_space<hbm>>
        tpu.enqueue_indirect_dma source(%dma_start3A_251 : memref<100000x128xf32, #tpu.memory_space<hbm>>) target(%arg25 : memref<32x128xf32, #tpu.memory_space<vmem>>) offsets(%dma_start3A_248 : memref<32xi32, #tpu.memory_space<vmem>>) semaphore(%arg35 : memref<!tpu.dma_semaphore, #tpu.memory_space<semaphore_mem>>)
        %dma_start3A_252 = tpu.memref_slice %arg13[%mul3A_247] : memref<512xi32, #tpu.memory_space<vmem>> -> memref<32xi32, #tpu.memory_space<vmem>>
        %dma_start3A_253 = arith.constant 0 : i32
        %dma_start3A_254 = arith.constant 0 : i32
        %dma_start3A_255 = tpu.memref_slice %arg7[%dma_start3A_253, %dma_start3A_254] : memref<100000x128xf32, #tpu.memory_space<hbm>> -> memref<100000x128xf32, #tpu.memory_space<hbm>>
        tpu.enqueue_indirect_dma source(%dma_start3A_255 : memref<100000x128xf32, #tpu.memory_space<hbm>>) target(%arg26 : memref<32x128xf32, #tpu.memory_space<vmem>>) offsets(%dma_start3A_252 : memref<32xi32, #tpu.memory_space<vmem>>) semaphore(%arg35 : memref<!tpu.dma_semaphore, #tpu.memory_space<semaphore_mem>>)
        %dma_start3A_256 = tpu.memref_slice %arg14[%mul3A_247] : memref<512xi32, #tpu.memory_space<vmem>> -> memref<32xi32, #tpu.memory_space<vmem>>
        %dma_start3A_257 = arith.constant 0 : i32
        %dma_start3A_258 = arith.constant 0 : i32
        %dma_start3A_259 = tpu.memref_slice %arg8[%dma_start3A_257, %dma_start3A_258] : memref<1000x128xf32, #tpu.memory_space<hbm>> -> memref<1000x128xf32, #tpu.memory_space<hbm>>
        tpu.enqueue_indirect_dma source(%dma_start3A_259 : memref<1000x128xf32, #tpu.memory_space<hbm>>) target(%arg27 : memref<32x128xf32, #tpu.memory_space<vmem>>) offsets(%dma_start3A_256 : memref<32xi32, #tpu.memory_space<vmem>>) semaphore(%arg35 : memref<!tpu.dma_semaphore, #tpu.memory_space<semaphore_mem>>)
        %dma_start3A_260 = tpu.memref_slice %arg14[%mul3A_247] : memref<512xi32, #tpu.memory_space<vmem>> -> memref<32xi32, #tpu.memory_space<vmem>>
        %dma_start3A_261 = arith.constant 0 : i32
        %dma_start3A_262 = arith.constant 0 : i32
        %dma_start3A_263 = tpu.memref_slice %arg9[%dma_start3A_261, %dma_start3A_262] : memref<1000x128xf32, #tpu.memory_space<hbm>> -> memref<1000x128xf32, #tpu.memory_space<hbm>>
        tpu.enqueue_indirect_dma source(%dma_start3A_263 : memref<1000x128xf32, #tpu.memory_space<hbm>>) target(%arg28 : memref<32x128xf32, #tpu.memory_space<vmem>>) offsets(%dma_start3A_260 : memref<32xi32, #tpu.memory_space<vmem>>) semaphore(%arg35 : memref<!tpu.dma_semaphore, #tpu.memory_space<semaphore_mem>>)
        %dma_start3A_264 = tpu.memref_slice %arg15[%mul3A_247] : memref<512xi32, #tpu.memory_space<vmem>> -> memref<32xi32, #tpu.memory_space<vmem>>
        %dma_start3A_265 = arith.constant 0 : i32
        %dma_start3A_266 = arith.constant 0 : i32
        %dma_start3A_267 = tpu.memref_slice %arg6[%dma_start3A_265, %dma_start3A_266] : memref<100000x128xf32, #tpu.memory_space<hbm>> -> memref<100000x128xf32, #tpu.memory_space<hbm>>
        tpu.enqueue_indirect_dma source(%dma_start3A_267 : memref<100000x128xf32, #tpu.memory_space<hbm>>) target(%arg29 : memref<32x128xf32, #tpu.memory_space<vmem>>) offsets(%dma_start3A_264 : memref<32xi32, #tpu.memory_space<vmem>>) semaphore(%arg35 : memref<!tpu.dma_semaphore, #tpu.memory_space<semaphore_mem>>)
        %dma_start3A_268 = tpu.memref_slice %arg15[%mul3A_247] : memref<512xi32, #tpu.memory_space<vmem>> -> memref<32xi32, #tpu.memory_space<vmem>>
        %dma_start3A_269 = arith.constant 0 : i32
        %dma_start3A_270 = arith.constant 0 : i32
        %dma_start3A_271 = tpu.memref_slice %arg7[%dma_start3A_269, %dma_start3A_270] : memref<100000x128xf32, #tpu.memory_space<hbm>> -> memref<100000x128xf32, #tpu.memory_space<hbm>>
        tpu.enqueue_indirect_dma source(%dma_start3A_271 : memref<100000x128xf32, #tpu.memory_space<hbm>>) target(%arg30 : memref<32x128xf32, #tpu.memory_space<vmem>>) offsets(%dma_start3A_268 : memref<32xi32, #tpu.memory_space<vmem>>) semaphore(%arg35 : memref<!tpu.dma_semaphore, #tpu.memory_space<semaphore_mem>>)
        %dma_start3A_272 = tpu.memref_slice %arg16[%mul3A_247] : memref<512xi32, #tpu.memory_space<vmem>> -> memref<32xi32, #tpu.memory_space<vmem>>
        %dma_start3A_273 = arith.constant 0 : i32
        %dma_start3A_274 = arith.constant 0 : i32
        %dma_start3A_275 = tpu.memref_slice %arg10[%dma_start3A_273, %dma_start3A_274] : memref<367x128xf32, #tpu.memory_space<hbm>> -> memref<367x128xf32, #tpu.memory_space<hbm>>
        tpu.enqueue_indirect_dma source(%dma_start3A_275 : memref<367x128xf32, #tpu.memory_space<hbm>>) target(%arg31 : memref<32x128xf32, #tpu.memory_space<vmem>>) offsets(%dma_start3A_272 : memref<32xi32, #tpu.memory_space<vmem>>) semaphore(%arg35 : memref<!tpu.dma_semaphore, #tpu.memory_space<semaphore_mem>>)
        %dma_start3A_276 = tpu.memref_slice %arg16[%mul3A_247] : memref<512xi32, #tpu.memory_space<vmem>> -> memref<32xi32, #tpu.memory_space<vmem>>
        %dma_start3A_277 = arith.constant 0 : i32
        %dma_start3A_278 = arith.constant 0 : i32
        %dma_start3A_279 = tpu.memref_slice %arg11[%dma_start3A_277, %dma_start3A_278] : memref<367x128xf32, #tpu.memory_space<hbm>> -> memref<367x128xf32, #tpu.memory_space<hbm>>
        tpu.enqueue_indirect_dma source(%dma_start3A_279 : memref<367x128xf32, #tpu.memory_space<hbm>>) target(%arg32 : memref<32x128xf32, #tpu.memory_space<vmem>>) offsets(%dma_start3A_276 : memref<32xi32, #tpu.memory_space<vmem>>) semaphore(%arg35 : memref<!tpu.dma_semaphore, #tpu.memory_space<semaphore_mem>>)
      } else {
      }
    }
    %scan3A_101 = arith.constant 8 : i32
    "tpu.region"() ({
      %run_scoped3A = tpu.sem_alloc : memref<!tpu.dma_semaphore, #tpu.memory_space<semaphore_mem>>
      %dma_start3A_102 = tpu.memref_slice %arg12[%mul3A_2] : memref<16384xf32, #tpu.memory_space<hbm>> -> memref<512xf32, #tpu.memory_space<hbm>>
      %dma_start3A_103 = tpu.memref_slice %arg12[%mul3A_2] : memref<16384xf32, #tpu.memory_space<hbm>> -> memref<512xf32, #tpu.memory_space<hbm>>
      tpu.enqueue_dma source(%arg33 : memref<512xf32, #tpu.memory_space<vmem>>) target(%dma_start3A_103 : memref<512xf32, #tpu.memory_space<hbm>>) target_semaphore(%run_scoped3A : memref<!tpu.dma_semaphore, #tpu.memory_space<semaphore_mem>>)
      %dma_wait3A_104 = tpu.memref_slice %arg12[%mul3A_2] : memref<16384xf32, #tpu.memory_space<hbm>> -> memref<512xf32, #tpu.memory_space<hbm>>
      %dma_wait3A_105 = tpu.memref_slice %arg12[%mul3A_2] : memref<16384xf32, #tpu.memory_space<hbm>> -> memref<512xf32, #tpu.memory_space<hbm>>
      tpu.wait_dma2 semaphore(%run_scoped3A : memref<!tpu.dma_semaphore, #tpu.memory_space<semaphore_mem>>) src(%arg33 : memref<512xf32, #tpu.memory_space<vmem>>) dst(%dma_wait3A_105 : memref<512xf32, #tpu.memory_space<hbm>>)
      tpu.yield
    }) : () -> ()
    return
  }
}

</mosaic_0001>

<sc_bundles>
// kernel: _run.3.cloned.1.call-start
scs
__scs_entry_jumppad:
0x0: {  	(pc) =	sbr.rel $0x88, $3  }
0x1: {  	(tag) =	ssettag $0x0;
	lr =	simm.s32 $0x1  }
0x2: {  	[smem:$0x3F97] =	sst lr;
	_ =	strace $0xD0000000  }
0x3: {  	_ = 	snop  }
0x4: {  	_ = 	snop  }
0x5: {  	_ = 	snop  }
0x6: {  	_ = 	snop  }
0x7: {  	_ = 	snop  }
__scs_overlays_trampoline_lowered:
0x8: {  	[smem:$0x3FA6] =	sst s0  }
0x9: {  	[smem:$0x3FA7] =	sst s1  }
0xa: {  	[smem:$0x3FA8] =	sst s2  }
0xb: {  	[smem:$0x3FA9] =	sst s3  }
0xc: {  	[smem:$0x3FAA] =	sst s4  }
0xd: {  	[smem:$0x3FAB] =	sst s5  }
0xe: {  	[smem:$0x3FAC] =	sst s6  }
0xf: {  	[smem:$0x3FAD] =	sst s7  }
0x10: {  	[smem:$0x3FAE] =	sst s8  }
0x11: {  	[smem:$0x3FAF] =	sst s9;
	s0 =	simm.s32 @!p0 $0x0  }
0x12: {  	s1 =	sld [smem:$0x3F95];
	s0 =	simm.s32 @p0 $0x1  }
0x13: {  	[smem:$0x3FB0] =	sst s0;
	s0 =	simm.s32 @!p1 $0x0  }
0x14: {  	s2 =	sld [smem:$0x3F94];
	s0 =	simm.s32 @p1 $0x1  }
0x15: {  	[smem:$0x3FB1] =	sst s0;
	s0 =	simm.s32 @!p2 $0x0  }
0x16: {  	s3 =	sld [smem:$0x3FDB];
	s0 =	simm.s32 @p2 $0x1  }
0x17: {  	s4 =	simm.s32 $0x1BF5;
	[smem:$0x3FB3] =	sst s0  }
0x18: {  	s0 =	sld [smem:$0x3F96];
	_ =	swait.ge [sflag:s4], $0x0  }
0x19: {  	s7 =	sld [smem:$0x3F97]  }
0x1a: {  	s8 =	sadd.s32 $0xFFFFE003, lr  }
0x1b: {  	s9 =	sadd.s32 $0xFFFFFEF7, lr;
	s5 =	simm.s32 $0xFFFFFFFF;
	p2 =	slt.u32 s8, $0xFFFFF086  }
0x1c: {  	p1 =	slt.u32 s9, $0xF7A;
	s5 =	simm.s32 @!p2 $0x0  }
0x1d: {  	s5 =	simm.s32 @p1 $0x1;
	p0 =	seq.s32 s7, s2  }
0x1e: {  	s7 =	smul.u32 @!p0 $0xF7A, s2;
	p2 =	seq.s32 @!p0 s5, $0x0  }
0x1f: {  	s9 =	smul.u32 $0xF7A, s1;
	s8 =	simm.s32 @!p0 $0x1BF5;
	p2 =	por !p2, p0  }
0x20: {  	[sflag:s8] =	ssyncset.s32 @!p0 $0xFFFFF086;
	s6 =	sadd.s32 @!p0 s3, s7;
	s7 =	simm.s32 @!p0 $0x108  }
0x21: {  	s3 =	sadd.s32 s3, s9;
	s6 =	sadd.s32 @!p0 $0x88, s6;
	s7 =	simm.s32 @p2 $0x1082  }
0x22: {  	[simem:s7], [sflag:s8] =	dma.local @!p0 [hbm:s6], $0xF7A  }
0x23: {  	s9 =	sor.u32 $0xD0000000, s2;
	s6 =	simm.s32 $0x108;
	_ =	swait.ge @!p0 [sflag:s8], $0x0  }
0x24: {  	s3 =	sadd.s32 $0x88, s3;
	s6 =	simm.s32 @!p1 $0x1082;
	[sflag:s4] =	ssyncset.s32 $0xFFFFF086  }
0x25: {  	[simem:s6], [sflag:s4] =	dma.local [hbm:s3], $0xF7A  }
0x26: {  	[smem:$0x3F97] =	sst s1;
	(tag) =	ssettag s2;
	_ =	strace s9  }
0x27: {  	s1 =	sld [smem:$0x3FA7]  }
0x28: {  	s2 =	sld [smem:$0x3FA8]  }
0x29: {  	s4 =	sld [smem:$0x3FAA]  }
0x2a: {  	p0 =	seq.s32 s5, $0x0;
	s5 =	sld [smem:$0x3FAB]  }
0x2b: {  	s6 =	sld [smem:$0x3FAC]  }
0x2c: {  	s7 =	sld [smem:$0x3FAD]  }
0x2d: {  	s3 =	simm.s32 $0x108;
	s8 =	sld [smem:$0x3FAE]  }
0x2e: {  	s3 =	simm.s32 @!p0 $0x1082;
	s9 =	sld [smem:$0x3FAF]  }
0x2f: {  	lr =	sadd.s32 s0, s3;
	s0 =	sld [smem:$0x3FA6]  }
0x30: {  	s3 =	sld [smem:$0x3FA9]  }
0x31: {  	[smem:$0x3FB2] =	sst s10  }
0x32: {  	s10 =	sld [smem:$0x3FB0];
	_ =	sdelay $0x3  }
0x33: {  	p0 =	seq.s32 s10, $0x1;
	s10 =	sld [smem:$0x3FB2];
	_ =	sdelay $0x3  }
0x34: {  	[smem:$0x3FB2] =	sst s10  }
0x35: {  	s10 =	sld [smem:$0x3FB1];
	_ =	sdelay $0x3  }
0x36: {  	p1 =	seq.s32 s10, $0x1;
	s10 =	sld [smem:$0x3FB2];
	_ =	sdelay $0x3  }
0x37: {  	[smem:$0x3FB2] =	sst s10  }
0x38: {  	s10 =	sld [smem:$0x3FB3]  }
0x39: {  	_ = 	snop;
	(pc) =	sbr.ind lr, $3  }
0x3a: {  	_ = 	snop  }
0x3b: {  	_ = 	snop  }
0x3c: {  	p2 =	seq.s32 s10, $0x1;
	s10 =	sld [smem:$0x3FB2]  }
0x3d: {  	_ =	shalt  }
0x3e: {  	_ =	shalt  }
0x3f: {  	_ =	shalt  }
0x40: {  	_ =	shalt  }
0x41: {  	_ =	shalt  }
0x42: {  	_ =	shalt  }
0x43: {  	_ =	shalt  }
0x44: {  	_ =	shalt  }
0x45: {  	_ =	shalt  }
0x46: {  	_ =	shalt  }
0x47: {  	_ =	shalt  }
0x48: {  	_ =	shalt  }
0x49: {  	_ =	shalt  }
0x4a: {  	_ =	shalt  }
0x4b: {  	_ =	shalt  }
0x4c: {  	_ =	shalt  }
0x4d: {  	_ =	shalt  }
0x4e: {  	_ =	shalt  }
0x4f: {  	_ =	shalt  }
0x50: {  	_ =	shalt  }
0x51: {  	_ =	shalt  }
0x52: {  	_ =	shalt  }
0x53: {  	_ =	shalt  }
0x54: {  	_ =	shalt  }
0x55: {  	_ =	shalt  }
0x56: {  	_ =	shalt  }
0x57: {  	_ =	shalt  }
0x58: {  	_ =	shalt  }
0x59: {  	_ =	shalt  }
0x5a: {  	_ =	shalt  }
0x5b: {  	_ =	shalt  }
0x5c: {  	_ =	shalt  }
0x5d: {  	_ =	shalt  }
0x5e: {  	_ =	shalt  }
0x5f: {  	_ =	shalt  }
0x60: {  	_ =	shalt  }
0x61: {  	_ =	shalt  }
0x62: {  	_ =	shalt  }
0x63: {  	_ =	shalt  }
0x64: {  	_ =	shalt  }
0x65: {  	_ =	shalt  }
0x66: {  	_ =	shalt  }
0x67: {  	_ =	shalt  }
0x68: {  	_ =	shalt  }
0x69: {  	_ =	shalt  }
0x6a: {  	_ =	shalt  }
0x6b: {  	_ =	shalt  }
0x6c: {  	_ =	shalt  }
0x6d: {  	_ =	shalt  }
0x6e: {  	_ =	shalt  }
0x6f: {  	_ =	shalt  }
0x70: {  	_ =	shalt  }
0x71: {  	_ =	shalt  }
0x72: {  	_ =	shalt  }
0x73: {  	_ =	shalt  }
0x74: {  	_ =	shalt  }
0x75: {  	_ =	shalt  }
0x76: {  	_ =	shalt  }
0x77: {  	_ =	shalt  }
0x78: {  	_ =	shalt  }
0x79: {  	_ =	shalt  }
0x7a: {  	_ =	shalt  }
0x7b: {  	_ =	shalt  }
0x7c: {  	_ =	shalt  }
0x7d: {  	_ =	shalt  }
0x7e: {  	_ =	shalt  }
0x7f: {  	_ =	shalt  }
0x80: {  	_ =	shalt  }
0x81: {  	_ =	shalt  }
0x82: {  	_ =	shalt  }
0x83: {  	_ =	shalt  }
0x84: {  	_ =	shalt  }
0x85: {  	_ =	shalt  }
0x86: {  	_ =	shalt  }
0x87: {  	_ =	shalt  }
.Lfunc_end0:
.L_simem_size_0:
called_computation_lowered:
.L_overlay_start_0:
0x88: {  	s2 =	sld [smem:$0x3FD9]  }
0x89: {  	s3 =	sld [smem:$0x3FFE];
	_ =	sdelay $0x1  }
0x8a: {  	s1 =	srdreg.scid  }
0x8b: {  	s0 =	sand.u32 $0x1, s1  }
0x8c: {  	s18 =	sshll.u32 s0, $0xA;
	s2 =	sadd.s32 s3, s2  }
0x8d: {  	s2 =	sadd.s32 s2, s18  }
0x8e: {  	[smem:$0x3FBE] =	sst s2  }
0x8f: {  	_ = 	snop  }
0x90: {  	s2 =	sld [smem:$0x3FC9]  }
0x91: {  	s19 =	sld [smem:$0x3FC8]  }
0x92: {  	s4 =	sld [smem:$0x3FC7]  }
0x93: {  	s5 =	sld [smem:$0x3FC6]  }
0x94: {  	s6 =	sld [smem:$0x3FC5]  }
0x95: {  	s7 =	sld [smem:$0x3FC4]  }
0x96: {  	s8 =	sld [smem:$0x3FC3]  }
0x97: {  	s9 =	sld [smem:$0x3FC2]  }
0x98: {  	s10 =	sld [smem:$0x3FC1]  }
0x99: {  	s11 =	sld [smem:$0x3FC0]  }
0x9a: {  	s12 =	sld [smem:$0x3FD0];
	(tm) =	ssettm $0x1  }
0x9b: {  	s13 =	sld [smem:$0x3FFB];
	_ =	sdelay $0x3  }
0x9c: {  	_ =	strace s13  }
0x9d: {  	s13 =	sld [smem:$0x3FFC];
	_ =	sdelay $0x3  }
0x9e: {  	_ =	strace s13  }
0x9f: {  	s13 =	sld [smem:$0x3FFD];
	_ =	sdelay $0x3  }
0xa0: {  	_ =	strace s13  }
0xa1: {  	_ =	strace $0x8FFFFFFF  }
0xa2: {  	s20 =	sld [smem:$0x3FDB];
	_ =	sdelay $0x1  }
0xa3: {  	s14 =	simm.s32 $_scs_section_size  }
0xa4: {  	s15 =	simm.s32 $_size__tile_overlayer_lowered;
	s16 =	simm.s32 $_tile_overlayer_lowered  }
0xa5: {  	s23 =	simm.s32 $0x1BFF;
	s22 =	sshll.u32 s16, $0x1;
	s13 =	sadd.s32 s14, s20  }
0xa6: {  	s17 =	simm.s32 $0x0;
	s21 =	sshll.u32 s15, $0x1;
	s15 =	sadd.s32 s22, s13  }
0xa7: {  	[timem:s17], [sflag:s23] =	dma.local [hbm:s15], s21  }
0xa8: {  	_ =	swait.ge [sflag:s23], s21  }
0xa9: {  	s14 =	ssub.s32 $0x0, s21;
	[sflag:s23] =	ssyncset.done $0x0  }
0xaa: {  	[sflag:s23] =	ssyncadd.s32 s14;
	_ =	sdelay $0x1  }
0xab: {  	s24 =	simm.s32 $0x1B8B  }
0xac: {  	_ =	swait.ge [sflag:s24], $0x1  }
0xad: {  	[sflag:s24] =	ssyncset.done $0x0  }
0xae: {  	s25 =	simm.s32 $0x1B8E;
	[sflag:s24] =	ssyncadd.s32 $0xFFFFFFFF  }
0xaf: {  	s26 =	simm.s32 $execute0_lowered;
	[smem:$0x3FD2] =	sst s25  }
0xb0: {  	s14 =	sshll.u32 s26, $0x1;
	_ =	strace $0x80000046;
	[dreg:$0x1] =	wrdreg $0xFFFFFFFF  }
0xb1: {  	s28 =	simm.s32 $_size_execute0_lowered;
	s13 =	sadd.s32 s13, s14;
	[dreg:$0x0] =	wrdreg $0x0  }
0xb2: {  	s14 =	sshll.u32 s28, $0x1;
	[dreg:$0x2] =	wrdreg s13  }
0xb3: {  	[dreg:$0x3] =	wrdreg s14  }
0xb4: {  	[dreg:$0x4] =	wrdreg $0xC0  }
0xb5: {  	_ =	task [dreg:s17], $0x5FFFF  }
0xb6: {  	[dreg:$0x1] =	wrdreg $0xFFFFFFFF  }
0xb7: {  	[dreg:$0x0] =	wrdreg $0x60  }
0xb8: {  	[dreg:$0x2] =	wrdreg s2  }
0xb9: {  	[dreg:$0x3] =	wrdreg s19  }
0xba: {  	[dreg:$0x4] =	wrdreg s4  }
0xbb: {  	[dreg:$0x5] =	wrdreg s5  }
0xbc: {  	[dreg:$0x6] =	wrdreg s6  }
0xbd: {  	[dreg:$0x7] =	wrdreg s7  }
0xbe: {  	[dreg:$0x8] =	wrdreg s8  }
0xbf: {  	[dreg:$0x9] =	wrdreg s9  }
0xc0: {  	[dreg:$0xa] =	wrdreg s10  }
0xc1: {  	[dreg:$0xb] =	wrdreg s11  }
0xc2: {  	[dreg:$0xc] =	wrdreg s12  }
0xc3: {  	[dreg:$0xd] =	wrdreg $0x9  }
0xc4: {  	_ =	task.clear_ibuf [dreg:s17], $0xEFFFF;
	_ =	strace $0x90000046  }
0xc5: {  	s29 =	simm.s32 $0x9;
	_ =	strace $0x80000048  }
0xc6: {  	_ =	swait.ge [sflag:s29], $0x1  }
0xc7: {  	[sflag:s29] =	ssyncadd.s32 $0xFFFFFFFF  }
0xc8: {  	_ =	strace $0x90000048  }
0xc9: {  	_ =	sfence  }
0xca: {  	s30 =	sld [smem:$0x0];
	_ =	sdelay $0x2  }
0xcb: {  	s31 =	sshll.u32 s1, $0xD;
	s1 =	sshrl.u32 s1, $0x2  }
0xcc: {  	s3 =	sand.u32 $0x4000, s31;
	s1 =	sadd.s32 s1, s30  }
0xcd: {  	s0 =	sor.u32 s3, s0;
	s1 =	sshll.u32 s1, $0x11  }
0xce: {  	s0 =	sor.u32 s1, s0  }
0xcf: {  	s0 =	sadd.s32 $0x8F2B, s0  }
0xd0: {  	[sflag:s0] =	ssyncadd.remote.s32 $0x1  }
0xd1: {  	_ =	sfence.sel $0xFFFF  }
0xd2: {  	[dreg:$0x0] =	wrdreg $0xFFFFFFFF;
	(pc) =	sbr.abs _section_cstart, $3  }
0xd3: {  	[dreg:$0x1] =	wrdreg $0xFFFFFFFF  }
0xd4: {  	_ =	task.clear_ibuf [dreg:s17], $0x2FFFF;
	_ =	strace $0x9FFFFFFF  }
0xd5: {  	(tm) =	ssettm $0x7FFFFFFF  }
tec
execute0_lowered:
.L_overlay_start_1:
0x0: {  	(tag) =	ssettag $0x1  }
0x1: {  	s1 =	rddreg [dreg:$0x0]  }
0x2: {  	s7 =	rddreg [dreg:$0x1]  }
0x3: {  	s9 =	rddreg [dreg:$0x2]  }
0x4: {  	s10 =	rddreg [dreg:$0x3]  }
0x5: {  	s0 =	rddreg [dreg:$0x4]  }
0x6: {  	s2 =	rddreg [dreg:$0x5]  }
0x7: {  	s3 =	rddreg [dreg:$0x6]  }
0x8: {  	s4 =	rddreg [dreg:$0x7]  }
0x9: {  	s5 =	rddreg [dreg:$0x8]  }
0xa: {  	s6 =	rddreg [dreg:$0x9]  }
0xb: {  	s11 =	rddreg [dreg:$0xa]  }
0xc: {  	s12 =	srdreg.scid;
	s16 =	simm.s32 $0x0;
	s8 =	stileid.u32  }
0xd: {  	s18 =	simm.s32 $0x1;
	s19 =	simm.s32 $0x20;
	s20 =	simm.s32 $0x800  }
0xe: {  	s21 =	simm.s32 $0x1800;
	s28 =	simm.s32 $0x7800;
	s29 =	simm.s32 $0x8800  }
0xf: {  	s30 =	simm.s32 $0x9800;
	s12 =	sand.u32 $0x1, s12;
	s14 =	sshll.u32 s8, $0x7  }
0x10: {  	[smem:$0x7FF] =	sst s16;
	s13 =	ssub.s32 $0x2, s12;
	s12 =	sshll.u32 s12, $0x6  }
0x11: {  	s31 =	simm.s32 $0x2;
	_ =	strace $0x80000047;
	s12 =	sor.u32 s12, s14  }
0x12: {  	s15 =	sshrl.u32 s13, $0x1;
	s14 =	simm.s32 $0xF800;
	s1 =	sadd.s32 s1, s12  }
0x13: {  	s13 =	ssub.s32 s13, s15;
	s22 =	sadd.s32 s7, s12;
	[dreg:$0xc] =	wrdreg s1  }
0x14: {  	s23 =	sadd.s32 s9, s12;
	s24 =	sadd.s32 s10, s12;
	[dreg:$0xd] =	wrdreg s22  }
0x15: {  	s25 =	sadd.s32 s11, s12;
	s7 =	simm.s32 $0xB800;
	[dreg:$0xe] =	wrdreg s23  }
.Ltmp0:
0x16: {  	s10 =	simm.s32 $0xC800;
	[dreg:$0xf] =	wrdreg s24;
	(pc) =	sbr.rel .LBB2_1-.Ltmp0, $4  }
0x17: {  	v0 =	vlaneseq.u32;
	s11 =	simm.s32 $0xD800;
	s12 =	simm.s32 $0x0;
	[dreg:$0x10] =	wrdreg s25  }
0x18: {  	v1 =	vmul.u32 $0x80, v0;
	s26 =	smax.u32 s13, $0x1;
	s22 =	simm.s32 $0x2800;
	s23 =	simm.s32 $0x3800  }
0x19: {  	s24 =	simm.s32 $0x4800;
	s25 =	simm.s32 $0x5800;
	s1 =	simm.s32 $0xA800  }
0x1a: {  	v2 =	vor.u32 $0x800, v1;
	s13 =	simm.s32 $0xE800;
	[dreg:$0x11] =	wrdreg s26;
	s26 =	simm.s32 $0x6800  }
.LBB2_8:
0x1b: {  	s16 =	simm.s32 $0x0  }
0x1c: {  	s8 =	rddreg [dreg:$0x10];
	s9 =	simm.s32 $0x10800;
	s15 =	simm.s32 $0x3  }
0x1d: {  	[hbm4b:s8+s16] =	stream.linear.scatter [tilespmem:s9], [sflag:$0x3], $0x200, $0x38;
	[tilespmem:$0x10A00] =	vst v63  }
0x1e: {  	_ =	swait.ge [sflag:s15], $0x200  }
0x1f: {  	s12 =	sadd.s32 $0x1, s12;
	s17 =	rddreg [dreg:$0x11]  }
0x20: {  	p0 =	sne.s32 s12, s17  }
.Ltmp1:
0x21: {  	_ = 	snop;
	(pc) =	sbr.rel @!p0 .LBB2_9-.Ltmp1, $3  }
0x22: {  	_ =	sdelay $0x1  }
0x23: {  	[sflag:s15] =	ssyncset.done $0x0  }
0x24: {  	[sflag:s15] =	ssyncadd.s32 $0xFFFFFE00  }
.LBB2_1:
0x25: {  	s8 =	rddreg [dreg:$0xc]  }
0x26: {  	[tilespmem:s16], [sflag:$0x1] =	stream.linear.gather [hbm4b:s8+s16], $0x200, $0x38;
	[tilespmem:$0x10A00] =	vst v63  }
0x27: {  	s15 =	rddreg [dreg:$0xd];
	s9 =	simm.s32 $0x200  }
0x28: {  	[tilespmem:s9], [sflag:$0x1] =	stream.linear.gather [hbm4b:s15+s16], $0x200, $0x38;
	[tilespmem:$0x10A00] =	vst v63  }
0x29: {  	s17 =	rddreg [dreg:$0xe];
	s15 =	simm.s32 $0x400  }
0x2a: {  	[tilespmem:s15], [sflag:$0x1] =	stream.linear.gather [hbm4b:s17+s16], $0x200, $0x38;
	[tilespmem:$0x10A00] =	vst v63  }
0x2b: {  	s8 =	rddreg [dreg:$0xf];
	s17 =	simm.s32 $0x600  }
0x2c: {  	[tilespmem:s17], [sflag:$0x1] =	stream.linear.gather [hbm4b:s8+s16], $0x200, $0x38;
	[tilespmem:$0x10A00] =	vst v63  }
0x2d: {  	_ =	swait.ge [sflag:s18], $0x200  }
0x2e: {  	[sflag:s18] =	ssyncset.done $0x0  }
0x2f: {  	[sflag:s18] =	ssyncadd.s32 $0xFFFFFE00  }
0x30: {  	_ =	swait.ge [sflag:s18], $0x200  }
0x31: {  	[sflag:s18] =	ssyncset.done $0x0  }
0x32: {  	[sflag:s18] =	ssyncadd.s32 $0xFFFFFE00  }
0x33: {  	_ =	swait.ge [sflag:s18], $0x200  }
0x34: {  	[sflag:s18] =	ssyncset.done $0x0  }
0x35: {  	[sflag:s18] =	ssyncadd.s32 $0xFFFFFE00  }
0x36: {  	_ =	swait.ge [sflag:s18], $0x200  }
0x37: {  	[sflag:s18] =	ssyncset.done $0x0  }
0x38: {  	[sflag:s18] =	ssyncadd.s32 $0xFFFFFE00  }
0x39: {  	[tilespmem:s20], [sflag:$0x1] =	stream.indirect.gather [hbm4b:s0+s19], $0x80, s16, s19, $0xb8;
	[tilespmem:$0x10A00] =	vst v63  }
0x3a: {  	_ = 	snop  }
0x3b: {  	[tilespmem:s21], [sflag:$0x1] =	stream.indirect.gather [hbm4b:s2+s19], $0x80, s16, s19, $0xb8;
	[tilespmem:$0x10A00] =	vst v63  }
0x3c: {  	_ = 	snop  }
0x3d: {  	[tilespmem:s22], [sflag:$0x1] =	stream.indirect.gather [hbm4b:s3+s19], $0x80, s9, s19, $0xb8;
	[tilespmem:$0x10A00] =	vst v63  }
0x3e: {  	_ = 	snop  }
0x3f: {  	[tilespmem:s23], [sflag:$0x1] =	stream.indirect.gather [hbm4b:s4+s19], $0x80, s9, s19, $0xb8;
	[tilespmem:$0x10A00] =	vst v63  }
0x40: {  	_ = 	snop  }
0x41: {  	[tilespmem:s24], [sflag:$0x1] =	stream.indirect.gather [hbm4b:s0+s19], $0x80, s15, s19, $0xb8;
	[tilespmem:$0x10A00] =	vst v63  }
0x42: {  	_ = 	snop  }
0x43: {  	[tilespmem:s25], [sflag:$0x1] =	stream.indirect.gather [hbm4b:s2+s19], $0x80, s15, s19, $0xb8;
	[tilespmem:$0x10A00] =	vst v63  }
0x44: {  	_ = 	snop  }
0x45: {  	[tilespmem:s26], [sflag:$0x1] =	stream.indirect.gather [hbm4b:s5+s19], $0x80, s17, s19, $0xb8;
	[tilespmem:$0x10A00] =	vst v63  }
0x46: {  	_ = 	snop  }
0x47: {  	[tilespmem:s28], [sflag:$0x1] =	stream.indirect.gather [hbm4b:s6+s19], $0x80, s17, s19, $0xb8;
	[tilespmem:$0x10A00] =	vst v63  }
0x48: {  	_ = 	snop  }
0x49: {  	[tilespmem:s29], [sflag:$0x2] =	stream.indirect.gather [hbm4b:s0+s19], $0x80, s19, s19, $0xb8;
	[tilespmem:$0x10A00] =	vst v63  }
0x4a: {  	_ = 	snop  }
0x4b: {  	[tilespmem:s30], [sflag:$0x2] =	stream.indirect.gather [hbm4b:s2+s19], $0x80, s19, s19, $0xb8;
	[tilespmem:$0x10A00] =	vst v63  }
0x4c: {  	s15 =	simm.s32 $0x220  }
0x4d: {  	[tilespmem:s1], [sflag:$0x2] =	stream.indirect.gather [hbm4b:s3+s19], $0x80, s15, s19, $0xb8;
	[tilespmem:$0x10A00] =	vst v63  }
0x4e: {  	_ = 	snop  }
0x4f: {  	[tilespmem:s7], [sflag:$0x2] =	stream.indirect.gather [hbm4b:s4+s19], $0x80, s15, s19, $0xb8;
	[tilespmem:$0x10A00] =	vst v63  }
0x50: {  	s16 =	simm.s32 $0x420  }
0x51: {  	[tilespmem:s10], [sflag:$0x2] =	stream.indirect.gather [hbm4b:s0+s19], $0x80, s16, s19, $0xb8;
	[tilespmem:$0x10A00] =	vst v63  }
0x52: {  	_ = 	snop  }
0x53: {  	[tilespmem:s11], [sflag:$0x2] =	stream.indirect.gather [hbm4b:s2+s19], $0x80, s16, s19, $0xb8;
	[tilespmem:$0x10A00] =	vst v63  }
0x54: {  	s17 =	simm.s32 $0x620  }
0x55: {  	[tilespmem:s13], [sflag:$0x2] =	stream.indirect.gather [hbm4b:s5+s19], $0x80, s17, s19, $0xb8;
	[tilespmem:$0x10A00] =	vst v63  }
0x56: {  	s15 =	simm.s32 $0x0  }
0x57: {  	[tilespmem:s14], [sflag:$0x2] =	stream.indirect.gather [hbm4b:s6+s19], $0x80, s17, s19, $0xb8;
	[tilespmem:$0x10A00] =	vst v63  }
.LBB2_2:
0x58: {  	_ =	swait.ge [sflag:s18], $0x1000  }
0x59: {  	[sflag:s18] =	ssyncset.done $0x0  }
0x5a: {  	[sflag:s18] =	ssyncadd.s32 $0xFFFFF000  }
0x5b: {  	_ =	swait.ge [sflag:s18], $0x1000  }
0x5c: {  	[sflag:s18] =	ssyncset.done $0x0  }
0x5d: {  	[sflag:s18] =	ssyncadd.s32 $0xFFFFF000  }
0x5e: {  	_ =	swait.ge [sflag:s18], $0x1000  }
0x5f: {  	[sflag:s18] =	ssyncset.done $0x0  }
0x60: {  	[sflag:s18] =	ssyncadd.s32 $0xFFFFF000  }
0x61: {  	_ =	swait.ge [sflag:s18], $0x1000  }
0x62: {  	[sflag:s18] =	ssyncset.done $0x0  }
0x63: {  	[sflag:s18] =	ssyncadd.s32 $0xFFFFF000  }
0x64: {  	_ =	swait.ge [sflag:s18], $0x1000  }
0x65: {  	[sflag:s18] =	ssyncset.done $0x0  }
0x66: {  	[sflag:s18] =	ssyncadd.s32 $0xFFFFF000  }
0x67: {  	_ =	swait.ge [sflag:s18], $0x1000  }
0x68: {  	s16 =	simm.s32 $0x0;
	[sflag:s18] =	ssyncset.done $0x0  }
0x69: {  	v3 =	vadd.s32 s16, v0;
	[sflag:s18] =	ssyncadd.s32 $0xFFFFF000  }
0x6a: {  	v3 =	vand.u32 $0x7F, v3;
	_ =	swait.ge [sflag:s18], $0x1000  }
0x6b: {  	v4 =	vor.u32 v2, v3;
	[sflag:s18] =	ssyncset.done $0x0  }
0x6c: {  	[sflag:s18] =	ssyncadd.s32 $0xFFFFF000  }
0x6d: {  	_ =	swait.ge [sflag:s18], $0x1000  }
0x6e: {  	[sflag:s18] =	ssyncset.done $0x0  }
0x6f: {  	[sflag:s18] =	ssyncadd.s32 $0xFFFFF000  }
0x70: {  	v6 =	vld.idx.msk [tilespmem:v4+s20+$0x0], $0xffff  }
0x71: {  	v10 =	vld.idx.msk [tilespmem:v4+s21+$0x0], $0xffff  }
0x72: {  	v12 =	vld.idx.msk [tilespmem:v4+s22+$0x0], $0xffff  }
0x73: {  	v13 =	vor.u32 v1, v3;
	v17 =	vld.idx.msk [tilespmem:v4+s23+$0x0], $0xffff  }
0x74: {  	v3 =	vld.idx.msk [tilespmem:v4+s24+$0x0], $0xffff  }
0x75: {  	v14 =	vld.idx.msk [tilespmem:v4+s25+$0x0], $0xffff  }
0x76: {  	v18 =	vld.idx.msk [tilespmem:v4+s26+$0x0], $0xffff  }
0x77: {  	v4 =	vld.idx.msk [tilespmem:v4+s28+$0x0], $0xffff  }
0x78: {  	s17 =	simm.s32 $0x1;
	v8 =	vld.idx.msk [tilespmem:v13+s20+$0x0], $0xffff  }
0x79: {  	v5 =	vadd.s32 s17, v0;
	v11 =	vld.idx.msk [tilespmem:v13+s21+$0x0], $0xffff  }
0x7a: {  	v19 =	vand.u32 $0x7F, v5;
	v7 =	vld.idx.msk [tilespmem:v13+s22+$0x0], $0xffff  }
0x7b: {  	v5 =	vor.u32 v2, v19;
	v9 =	vld.idx.msk [tilespmem:v13+s23+$0x0], $0xffff;
	v20 =	vmul.f32 v3, v6;
	v21 =	vmul.f32 v14, v10  }
0x7c: {  	v15 =	vld.idx.msk [tilespmem:v13+s24+$0x0], $0xffff;
	v10 =	vmul.f32 v3, v10;
	v22 =	vmul.f32 v14, v6  }
0x7d: {  	v16 =	vld.idx.msk [tilespmem:v13+s25+$0x0], $0xffff;
	v23 =	vmul.f32 v18, v12;
	v24 =	vmul.f32 v4, v17  }
0x7e: {  	v14 =	vld.idx.msk [tilespmem:v13+s26+$0x0], $0xffff;
	v4 =	vmul.f32 v4, v12;
	v12 =	vmul.f32 v18, v17  }
0x7f: {  	v18 =	vld.idx.msk [tilespmem:v13+s28+$0x0], $0xffff;
	v6 =	vor.u32 v1, v19;
	v19 =	vadd.f32 v21, v20;
	v13 =	vsub.f32 v10, v22  }
0x80: {  	v10 =	vld.idx.msk [tilespmem:v5+s20+$0x0], $0xffff;
	v20 =	vsub.f32 v23, v24;
	v17 =	vadd.f32 v4, v12  }
0x81: {  	s16 =	simm.s32 $0x2;
	v3 =	vimm.f32 $0.0e+00;
	v12 =	vld.idx.msk [tilespmem:v5+s21+$0x0], $0xffff;
	v4 =	vimm.f32 $0.0e+00  }
.LBB2_3:
0x82: {  	p0 =	sne.s32 s16, $0x7F;
	v21 =	vld.idx.msk [tilespmem:v5+s22+$0x0], $0xffff;
	v19 =	vmul.f32 v20, v19;
	v13 =	vmul.f32 v17, v13  }
0x83: {  	v20 =	vmul.f32 v15, v8;
	v22 =	vmul.f32 v16, v11;
	v17 =	vld.idx.msk [tilespmem:v5+s23+$0x0], $0xffff  }
0x84: {  	v11 =	vmul.f32 v15, v11;
	v8 =	vmul.f32 v16, v8;
	v23 =	vld.idx.msk [tilespmem:v5+s24+$0x0], $0xffff;
	v13 =	vsub.f32 v19, v13  }
0x85: {  	v15 =	vadd.f32 v22, v20;
	v19 =	vmul.f32 v14, v7;
	v20 =	vmul.f32 v18, v9;
	v16 =	vld.idx.msk [tilespmem:v5+s25+$0x0], $0xffff  }
0x86: {  	v7 =	vmul.f32 v18, v7;
	v9 =	vmul.f32 v14, v9;
	v22 =	vld.idx.msk [tilespmem:v5+s26+$0x0], $0xffff;
	v3 =	vadd.f32 v13, v3  }
0x87: {  	v14 =	vsub.f32 v19, v20;
	v13 =	vld.idx.msk [tilespmem:v5+s28+$0x0], $0xffff;
	v5 =	vsub.f32 v11, v8  }
0x88: {  	v9 =	vadd.f32 v7, v9;
	v8 =	vld.idx.msk [tilespmem:v6+s20+$0x0], $0xffff  }
0x89: {  	v7 =	vadd.s32 s16, v0;
	v14 =	vmul.f32 v14, v15;
	v11 =	vld.idx.msk [tilespmem:v6+s21+$0x0], $0xffff  }
0x8a: {  	v15 =	vand.u32 $0x7F, v7;
	v18 =	vmul.f32 v9, v5;
	v7 =	vld.idx.msk [tilespmem:v6+s22+$0x0], $0xffff  }
0x8b: {  	v5 =	vor.u32 v2, v15;
	v19 =	vmul.f32 v23, v10;
	v20 =	vmul.f32 v16, v12;
	v9 =	vld.idx.msk [tilespmem:v6+s23+$0x0], $0xffff  }
0x8c: {  	v24 =	vor.u32 v1, v15;
	v12 =	vmul.f32 v23, v12;
	v10 =	vmul.f32 v16, v10;
	v15 =	vld.idx.msk [tilespmem:v6+s24+$0x0], $0xffff  }
.Ltmp2:
0x8d: {  	v23 =	vmul.f32 v22, v21;
	v26 =	vsub.f32 v14, v18;
	v25 =	vmul.f32 v13, v17;
	v16 =	vld.idx.msk [tilespmem:v6+s25+$0x0], $0xffff;
	(pc) =	sbr.rel @p0 .LBB2_3-.Ltmp2, $4  }
0x8e: {  	v21 =	vmul.f32 v13, v21;
	v17 =	vmul.f32 v22, v17;
	v14 =	vld.idx.msk [tilespmem:v6+s26+$0x0], $0xffff  }
0x8f: {  	v19 =	vadd.f32 v20, v19;
	v13 =	vsub.f32 v12, v10;
	v18 =	vld.idx.msk [tilespmem:v6+s28+$0x0], $0xffff;
	v6 =	vmov v24  }
0x90: {  	v20 =	vsub.f32 v23, v25;
	v17 =	vadd.f32 v21, v17;
	v10 =	vld.idx.msk [tilespmem:v5+s20+$0x0], $0xffff  }
0x91: {  	s16 =	sadd.s32 $0x1, s16;
	v4 =	vadd.f32 v26, v4;
	v12 =	vld.idx.msk [tilespmem:v5+s21+$0x0], $0xffff  }
0x92: {  	_ =	sdelay $0x3  }
0x93: {  	v21 =	vld.idx.msk [tilespmem:v5+s22+$0x0], $0xffff  }
0x94: {  	v22 =	vld.idx.msk [tilespmem:v5+s23+$0x0], $0xffff  }
0x95: {  	v23 =	vld.idx.msk [tilespmem:v5+s24+$0x0], $0xffff  }
0x96: {  	v24 =	vld.idx.msk [tilespmem:v5+s25+$0x0], $0xffff  }
0x97: {  	v25 =	vld.idx.msk [tilespmem:v6+s20+$0x0], $0xffff  }
0x98: {  	v26 =	vld.idx.msk [tilespmem:v6+s21+$0x0], $0xffff  }
0x99: {  	v27 =	vmul.f32 v15, v8;
	v29 =	vld.idx.msk [tilespmem:v6+s22+$0x0], $0xffff  }
0x9a: {  	v28 =	vmul.f32 v16, v11;
	v32 =	vld.idx.msk [tilespmem:v6+s23+$0x0], $0xffff;
	v11 =	vmul.f32 v15, v11  }
0x9b: {  	v15 =	vld.idx.msk [tilespmem:v6+s24+$0x0], $0xffff;
	v30 =	vmul.f32 v14, v7;
	v31 =	vmul.f32 v18, v9  }
0x9c: {  	v19 =	vmul.f32 v20, v19;
	v8 =	vmul.f32 v16, v8;
	v60 =	vld.idx.msk [tilespmem:v6+s25+$0x0], $0xffff;
	v16 =	vadd.f32 v28, v27  }
0x9d: {  	v7 =	vmul.f32 v18, v7;
	v9 =	vmul.f32 v14, v9;
	v14 =	vld.idx.msk [tilespmem:v6+s26+$0x0], $0xffff;
	v20 =	vsub.f32 v30, v31  }
0x9e: {  	v6 =	vld.idx.msk [tilespmem:v6+s28+$0x0], $0xffff;
	v18 =	vmul.f32 v23, v10;
	v23 =	vmul.f32 v23, v12  }
0x9f: {  	v12 =	vmul.f32 v24, v12;
	v16 =	vmul.f32 v20, v16;
	v20 =	vld.idx.msk [tilespmem:v5+s26+$0x0], $0xffff  }
0xa0: {  	v10 =	vmul.f32 v24, v10;
	v61 =	vmul.f32 v15, v25;
	v5 =	vld.idx.msk [tilespmem:v5+s28+$0x0], $0xffff  }
0xa1: {  	v15 =	vmul.f32 v15, v26;
	v26 =	vmul.f32 v60, v26  }
0xa2: {  	v8 =	vsub.f32 v11, v8;
	v11 =	vmul.f32 v60, v25;
	v62 =	vmul.f32 v14, v29  }
0xa3: {  	v7 =	vadd.f32 v7, v9;
	v9 =	vmul.f32 v6, v29;
	v6 =	vmul.f32 v6, v32  }
0xa4: {  	v12 =	vadd.f32 v12, v18;
	v14 =	vmul.f32 v14, v32;
	v10 =	vsub.f32 v23, v10  }
0xa5: {  	v11 =	vsub.f32 v15, v11;
	v18 =	vmul.f32 v20, v21;
	v21 =	vmul.f32 v5, v21  }
0xa6: {  	v6 =	vsub.f32 v62, v6;
	v5 =	vmul.f32 v5, v22;
	v20 =	vmul.f32 v20, v22  }
0xa7: {  	v7 =	vmul.f32 v7, v8;
	v8 =	vadd.f32 v9, v14;
	v22 =	vadd.f32 v26, v61  }
0xa8: {  	v9 =	vmul.f32 v17, v13;
	v5 =	vsub.f32 v18, v5;
	v13 =	vadd.f32 v21, v20  }
0xa9: {  	v7 =	vsub.f32 v16, v7;
	v8 =	vmul.f32 v8, v11;
	v6 =	vmul.f32 v6, v22  }
0xaa: {  	v9 =	vsub.f32 v19, v9;
	v5 =	vmul.f32 v5, v12;
	v10 =	vmul.f32 v13, v10  }
0xab: {  	v4 =	vadd.f32 v7, v4;
	v6 =	vsub.f32 v6, v8  }
0xac: {  	v3 =	vadd.f32 v9, v3;
	v5 =	vsub.f32 v5, v10  }
0xad: {  	v4 =	vadd.f32 v6, v4  }
0xae: {  	s16 =	sshll.u32 s15, $0x6;
	v3 =	vadd.f32 v5, v3  }
0xaf: {  	p0 =	seq.s32 s15, $0x7;
	[tilespmem:s16+$0x10800] =	vst v4  }
0xb0: {  	s17 =	sadd.s32 @!p0 $0x40, s16;
	s9 =	simm.s32 @!p0 $0x20;
	s8 =	simm.s32 @!p0 $0x800;
	[tilespmem:s16+$0x10810] =	vst v3  }
0xb1: {  	[tilespmem:s8], [sflag:$0x1] =	stream.indirect.gather @!p0 [hbm4b:s0+s9], $0x80, s17, s9, $0xb8;
	[tilespmem:$0x10A00] =	vst v63  }
0xb2: {  	s8 =	simm.s32 @!p0 $0x1800  }
0xb3: {  	[tilespmem:s8], [sflag:$0x1] =	stream.indirect.gather @!p0 [hbm4b:s2+s9], $0x80, s17, s9, $0xb8;
	[tilespmem:$0x10A00] =	vst v63  }
0xb4: {  	s8 =	sadd.s32 @!p0 $0x240, s16;
	s17 =	simm.s32 @!p0 $0x2800  }
0xb5: {  	[tilespmem:s17], [sflag:$0x1] =	stream.indirect.gather @!p0 [hbm4b:s3+s9], $0x80, s8, s9, $0xb8;
	[tilespmem:$0x10A00] =	vst v63  }
0xb6: {  	s17 =	simm.s32 @!p0 $0x3800  }
0xb7: {  	[tilespmem:s17], [sflag:$0x1] =	stream.indirect.gather @!p0 [hbm4b:s4+s9], $0x80, s8, s9, $0xb8;
	[tilespmem:$0x10A00] =	vst v63  }
0xb8: {  	s8 =	sadd.s32 @!p0 $0x440, s16;
	s17 =	simm.s32 @!p0 $0x4800  }
0xb9: {  	[tilespmem:s17], [sflag:$0x1] =	stream.indirect.gather @!p0 [hbm4b:s0+s9], $0x80, s8, s9, $0xb8;
	[tilespmem:$0x10A00] =	vst v63  }
0xba: {  	s17 =	simm.s32 @!p0 $0x5800  }
0xbb: {  	[tilespmem:s17], [sflag:$0x1] =	stream.indirect.gather @!p0 [hbm4b:s2+s9], $0x80, s8, s9, $0xb8;
	[tilespmem:$0x10A00] =	vst v63  }
0xbc: {  	s8 =	sadd.s32 @!p0 $0x640, s16;
	s17 =	simm.s32 @!p0 $0x6800  }
0xbd: {  	[tilespmem:s17], [sflag:$0x1] =	stream.indirect.gather @!p0 [hbm4b:s5+s9], $0x80, s8, s9, $0xb8;
	[tilespmem:$0x10A00] =	vst v63  }
0xbe: {  	s17 =	simm.s32 @!p0 $0x7800  }
0xbf: {  	[tilespmem:s17], [sflag:$0x1] =	stream.indirect.gather @!p0 [hbm4b:s6+s9], $0x80, s8, s9, $0xb8;
	[tilespmem:$0x10A00] =	vst v63  }
0xc0: {  	_ =	swait.ge [sflag:s31], $0x1000  }
0xc1: {  	[sflag:s31] =	ssyncset.done $0x0  }
0xc2: {  	[sflag:s31] =	ssyncadd.s32 $0xFFFFF000  }
0xc3: {  	_ =	swait.ge [sflag:s31], $0x1000  }
0xc4: {  	[sflag:s31] =	ssyncset.done $0x0  }
0xc5: {  	[sflag:s31] =	ssyncadd.s32 $0xFFFFF000  }
0xc6: {  	_ =	swait.ge [sflag:s31], $0x1000  }
0xc7: {  	[sflag:s31] =	ssyncset.done $0x0  }
0xc8: {  	[sflag:s31] =	ssyncadd.s32 $0xFFFFF000  }
0xc9: {  	_ =	swait.ge [sflag:s31], $0x1000  }
0xca: {  	[sflag:s31] =	ssyncset.done $0x0  }
0xcb: {  	[sflag:s31] =	ssyncadd.s32 $0xFFFFF000  }
0xcc: {  	_ =	swait.ge [sflag:s31], $0x1000  }
0xcd: {  	[sflag:s31] =	ssyncset.done $0x0  }
0xce: {  	[sflag:s31] =	ssyncadd.s32 $0xFFFFF000  }
0xcf: {  	_ =	swait.ge [sflag:s31], $0x1000  }
0xd0: {  	s9 =	simm.s32 $0x0;
	[sflag:s31] =	ssyncset.done $0x0  }
0xd1: {  	v3 =	vadd.s32 s9, v0;
	[sflag:s31] =	ssyncadd.s32 $0xFFFFF000  }
0xd2: {  	v3 =	vand.u32 $0x7F, v3;
	_ =	swait.ge [sflag:s31], $0x1000  }
0xd3: {  	v4 =	vor.u32 v2, v3;
	[sflag:s31] =	ssyncset.done $0x0  }
0xd4: {  	[sflag:s31] =	ssyncadd.s32 $0xFFFFF000  }
0xd5: {  	_ =	swait.ge [sflag:s31], $0x1000  }
0xd6: {  	[sflag:s31] =	ssyncset.done $0x0  }
0xd7: {  	[sflag:s31] =	ssyncadd.s32 $0xFFFFF000  }
0xd8: {  	v6 =	vld.idx.msk [tilespmem:v4+s29+$0x0], $0xffff  }
0xd9: {  	v10 =	vld.idx.msk [tilespmem:v4+s30+$0x0], $0xffff  }
0xda: {  	v12 =	vld.idx.msk [tilespmem:v4+s1+$0x0], $0xffff  }
0xdb: {  	v13 =	vor.u32 v1, v3;
	v17 =	vld.idx.msk [tilespmem:v4+s7+$0x0], $0xffff  }
0xdc: {  	v3 =	vld.idx.msk [tilespmem:v4+s10+$0x0], $0xffff  }
0xdd: {  	v14 =	vld.idx.msk [tilespmem:v4+s11+$0x0], $0xffff  }
0xde: {  	v18 =	vld.idx.msk [tilespmem:v4+s13+$0x0], $0xffff  }
0xdf: {  	v4 =	vld.idx.msk [tilespmem:v4+s14+$0x0], $0xffff  }
0xe0: {  	s17 =	simm.s32 $0x1;
	v8 =	vld.idx.msk [tilespmem:v13+s29+$0x0], $0xffff  }
0xe1: {  	v5 =	vadd.s32 s17, v0;
	v11 =	vld.idx.msk [tilespmem:v13+s30+$0x0], $0xffff  }
0xe2: {  	v19 =	vand.u32 $0x7F, v5;
	v7 =	vld.idx.msk [tilespmem:v13+s1+$0x0], $0xffff  }
0xe3: {  	v5 =	vor.u32 v2, v19;
	v9 =	vld.idx.msk [tilespmem:v13+s7+$0x0], $0xffff;
	v20 =	vmul.f32 v3, v6;
	v21 =	vmul.f32 v14, v10  }
0xe4: {  	v15 =	vld.idx.msk [tilespmem:v13+s10+$0x0], $0xffff;
	v10 =	vmul.f32 v3, v10;
	v22 =	vmul.f32 v14, v6  }
0xe5: {  	v16 =	vld.idx.msk [tilespmem:v13+s11+$0x0], $0xffff;
	v23 =	vmul.f32 v18, v12;
	v63 =	vmul.f32 v4, v17  }
0xe6: {  	v14 =	vld.idx.msk [tilespmem:v13+s13+$0x0], $0xffff;
	v4 =	vmul.f32 v4, v12;
	v12 =	vmul.f32 v18, v17  }
0xe7: {  	v18 =	vld.idx.msk [tilespmem:v13+s14+$0x0], $0xffff;
	v6 =	vor.u32 v1, v19;
	v19 =	vadd.f32 v21, v20;
	v13 =	vsub.f32 v10, v22  }
0xe8: {  	v10 =	vld.idx.msk [tilespmem:v5+s29+$0x0], $0xffff;
	v20 =	vsub.f32 v23, v63;
	v17 =	vadd.f32 v4, v12  }
0xe9: {  	s17 =	simm.s32 $0x2;
	v3 =	vimm.f32 $0.0e+00;
	v12 =	vld.idx.msk [tilespmem:v5+s30+$0x0], $0xffff;
	v4 =	vimm.f32 $0.0e+00  }
.LBB2_5:
0xea: {  	p1 =	sne.s32 s17, $0x7F;
	v21 =	vld.idx.msk [tilespmem:v5+s1+$0x0], $0xffff;
	v19 =	vmul.f32 v20, v19;
	v13 =	vmul.f32 v17, v13  }
0xeb: {  	v20 =	vmul.f32 v15, v8;
	v22 =	vmul.f32 v16, v11;
	v17 =	vld.idx.msk [tilespmem:v5+s7+$0x0], $0xffff  }
0xec: {  	v11 =	vmul.f32 v15, v11;
	v8 =	vmul.f32 v16, v8;
	v23 =	vld.idx.msk [tilespmem:v5+s10+$0x0], $0xffff;
	v13 =	vsub.f32 v19, v13  }
0xed: {  	v15 =	vadd.f32 v22, v20;
	v19 =	vmul.f32 v14, v7;
	v20 =	vmul.f32 v18, v9;
	v16 =	vld.idx.msk [tilespmem:v5+s11+$0x0], $0xffff  }
0xee: {  	v7 =	vmul.f32 v18, v7;
	v9 =	vmul.f32 v14, v9;
	v22 =	vld.idx.msk [tilespmem:v5+s13+$0x0], $0xffff;
	v3 =	vadd.f32 v13, v3  }
0xef: {  	v14 =	vsub.f32 v19, v20;
	v13 =	vld.idx.msk [tilespmem:v5+s14+$0x0], $0xffff;
	v5 =	vsub.f32 v11, v8  }
0xf0: {  	v9 =	vadd.f32 v7, v9;
	v8 =	vld.idx.msk [tilespmem:v6+s29+$0x0], $0xffff  }
0xf1: {  	v7 =	vadd.s32 s17, v0;
	v14 =	vmul.f32 v14, v15;
	v11 =	vld.idx.msk [tilespmem:v6+s30+$0x0], $0xffff  }
0xf2: {  	v15 =	vand.u32 $0x7F, v7;
	v18 =	vmul.f32 v9, v5;
	v7 =	vld.idx.msk [tilespmem:v6+s1+$0x0], $0xffff  }
0xf3: {  	v5 =	vor.u32 v2, v15;
	v19 =	vmul.f32 v23, v10;
	v20 =	vmul.f32 v16, v12;
	v9 =	vld.idx.msk [tilespmem:v6+s7+$0x0], $0xffff  }
0xf4: {  	v24 =	vor.u32 v1, v15;
	v12 =	vmul.f32 v23, v12;
	v10 =	vmul.f32 v16, v10;
	v15 =	vld.idx.msk [tilespmem:v6+s10+$0x0], $0xffff  }
.Ltmp3:
0xf5: {  	v23 =	vmul.f32 v22, v21;
	v26 =	vsub.f32 v14, v18;
	v25 =	vmul.f32 v13, v17;
	v16 =	vld.idx.msk [tilespmem:v6+s11+$0x0], $0xffff;
	(pc) =	sbr.rel @p1 .LBB2_5-.Ltmp3, $4  }
0xf6: {  	v21 =	vmul.f32 v13, v21;
	v17 =	vmul.f32 v22, v17;
	v14 =	vld.idx.msk [tilespmem:v6+s13+$0x0], $0xffff  }
0xf7: {  	v19 =	vadd.f32 v20, v19;
	v13 =	vsub.f32 v12, v10;
	v18 =	vld.idx.msk [tilespmem:v6+s14+$0x0], $0xffff;
	v6 =	vmov v24  }
0xf8: {  	v20 =	vsub.f32 v23, v25;
	v17 =	vadd.f32 v21, v17;
	v10 =	vld.idx.msk [tilespmem:v5+s29+$0x0], $0xffff  }
0xf9: {  	s17 =	sadd.s32 $0x1, s17;
	v4 =	vadd.f32 v26, v4;
	v12 =	vld.idx.msk [tilespmem:v5+s30+$0x0], $0xffff  }
0xfa: {  	_ =	sdelay $0x3  }
0xfb: {  	v21 =	vld.idx.msk [tilespmem:v5+s1+$0x0], $0xffff  }
0xfc: {  	v22 =	vld.idx.msk [tilespmem:v5+s7+$0x0], $0xffff  }
0xfd: {  	v23 =	vld.idx.msk [tilespmem:v5+s10+$0x0], $0xffff  }
0xfe: {  	v24 =	vld.idx.msk [tilespmem:v5+s11+$0x0], $0xffff  }
0xff: {  	v25 =	vld.idx.msk [tilespmem:v6+s29+$0x0], $0xffff  }
0x100: {  	v26 =	vld.idx.msk [tilespmem:v6+s30+$0x0], $0xffff  }
0x101: {  	v29 =	vld.idx.msk [tilespmem:v6+s1+$0x0], $0xffff  }
0x102: {  	v27 =	vmul.f32 v15, v8;
	v28 =	vmul.f32 v16, v11;
	v32 =	vld.idx.msk [tilespmem:v6+s7+$0x0], $0xffff  }
0x103: {  	v19 =	vmul.f32 v20, v19;
	v40 =	vmul.f32 v15, v11;
	v41 =	vld.idx.msk [tilespmem:v6+s10+$0x0], $0xffff  }
0x104: {  	v42 =	vmul.f32 v16, v8;
	v45 =	vld.idx.msk [tilespmem:v6+s11+$0x0], $0xffff;
	v30 =	vmul.f32 v14, v7  }
0x105: {  	v48 =	vld.idx.msk [tilespmem:v6+s13+$0x0], $0xffff;
	v47 =	vmul.f32 v14, v9;
	v31 =	vmul.f32 v18, v9  }
0x106: {  	v50 =	vld.idx.msk [tilespmem:v6+s14+$0x0], $0xffff;
	v46 =	vmul.f32 v18, v7;
	v49 =	vmul.f32 v23, v10  }
0x107: {  	v51 =	vld.idx.msk [tilespmem:v5+s13+$0x0], $0xffff;
	v23 =	vmul.f32 v23, v12;
	v52 =	vmul.f32 v24, v12  }
0x108: {  	v53 =	vld.idx.msk [tilespmem:v5+s14+$0x0], $0xffff;
	v54 =	vmul.f32 v24, v10;
	v55 =	vmul.f32 v41, v25  }
0x109: {  	v15 =	vmul.f32 v41, v26;
	v26 =	vmul.f32 v45, v26  }
0x10a: {  	v43 =	vadd.f32 v28, v27;
	v56 =	vmul.f32 v45, v25;
	v57 =	vmul.f32 v48, v29  }
0x10b: {  	v8 =	vsub.f32 v40, v42;
	v58 =	vmul.f32 v50, v29;
	v6 =	vmul.f32 v50, v32  }
0x10c: {  	v44 =	vsub.f32 v30, v31;
	v14 =	vmul.f32 v48, v32;
	v59 =	vmul.f32 v51, v21  }
0x10d: {  	v7 =	vadd.f32 v46, v47;
	v21 =	vmul.f32 v53, v21;
	v5 =	vmul.f32 v53, v22  }
0x10e: {  	v20 =	vmul.f32 v51, v22;
	v12 =	vadd.f32 v52, v49;
	v10 =	vsub.f32 v23, v54  }
0x10f: {  	v16 =	vmul.f32 v44, v43;
	v60 =	vadd.f32 v26, v55;
	v11 =	vsub.f32 v15, v56  }
0x110: {  	v7 =	vmul.f32 v7, v8;
	v6 =	vsub.f32 v57, v6;
	v61 =	vadd.f32 v58, v14  }
0x111: {  	v62 =	vmul.f32 v17, v13;
	v5 =	vsub.f32 v59, v5;
	v63 =	vadd.f32 v21, v20  }
0x112: {  	v7 =	vsub.f32 v16, v7;
	v6 =	vmul.f32 v6, v60;
	v8 =	vmul.f32 v61, v11  }
0x113: {  	v9 =	vsub.f32 v19, v62;
	v5 =	vmul.f32 v5, v12;
	v10 =	vmul.f32 v63, v10  }
0x114: {  	v4 =	vadd.f32 v7, v4;
	v6 =	vsub.f32 v6, v8  }
.Ltmp4:
0x115: {  	v3 =	vadd.f32 v9, v3;
	v5 =	vsub.f32 v5, v10;
	(pc) =	sbr.rel @p0 .LBB2_8-.Ltmp4, $4  }
0x116: {  	v4 =	vadd.f32 v6, v4  }
0x117: {  	v3 =	vadd.f32 v5, v3  }
0x118: {  	[tilespmem:s16+$0x10820] =	vst v4  }
0x119: {  	[tilespmem:s16+$0x10830] =	vst v3  }
0x11a: {  	s8 =	sadd.s32 $0x60, s16  }
0x11b: {  	[tilespmem:s29], [sflag:$0x2] =	stream.indirect.gather [hbm4b:s0+s19], $0x80, s8, s19, $0xb8;
	[tilespmem:$0x10A00] =	vst v63  }
0x11c: {  	_ = 	snop  }
0x11d: {  	[tilespmem:s30], [sflag:$0x2] =	stream.indirect.gather [hbm4b:s2+s19], $0x80, s8, s19, $0xb8;
	[tilespmem:$0x10A00] =	vst v63  }
0x11e: {  	s17 =	sadd.s32 $0x260, s16  }
0x11f: {  	[tilespmem:s1], [sflag:$0x2] =	stream.indirect.gather [hbm4b:s3+s19], $0x80, s17, s19, $0xb8;
	[tilespmem:$0x10A00] =	vst v63  }
0x120: {  	_ = 	snop  }
0x121: {  	[tilespmem:s7], [sflag:$0x2] =	stream.indirect.gather [hbm4b:s4+s19], $0x80, s17, s19, $0xb8;
	[tilespmem:$0x10A00] =	vst v63  }
0x122: {  	s9 =	sadd.s32 $0x460, s16  }
0x123: {  	[tilespmem:s10], [sflag:$0x2] =	stream.indirect.gather [hbm4b:s0+s19], $0x80, s9, s19, $0xb8;
	[tilespmem:$0x10A00] =	vst v63  }
0x124: {  	_ = 	snop  }
0x125: {  	[tilespmem:s11], [sflag:$0x2] =	stream.indirect.gather [hbm4b:s2+s19], $0x80, s9, s19, $0xb8;
	[tilespmem:$0x10A00] =	vst v63  }
.Ltmp5:
0x126: {  	_ = 	snop;
	(pc) =	sbr.rel .LBB2_2-.Ltmp5, $4  }
0x127: {  	s17 =	sadd.s32 $0x660, s16  }
0x128: {  	[tilespmem:s13], [sflag:$0x2] =	stream.indirect.gather [hbm4b:s5+s19], $0x80, s17, s19, $0xb8;
	[tilespmem:$0x10A00] =	vst v63  }
0x129: {  	s15 =	sadd.s32 $0x1, s15  }
0x12a: {  	[tilespmem:s14], [sflag:$0x2] =	stream.indirect.gather [hbm4b:s6+s19], $0x80, s17, s19, $0xb8;
	[tilespmem:$0x10A00] =	vst v63  }
.LBB2_9:
0x12b: {  	_ =	sfence.sel $0x180000  }
0x12c: {  	[bflag:$0x0] =	sbarrier.arrive $0xFFFF  }
0x12d: {  	_ =	strace $0x90000047  }
0x12e: {  	s0 =	stileid.u32;
	[bflag:$0x2] =	sbarrier.arrive $0xFFFF  }
0x12f: {  	p0 =	sne.s32 s0, $0x0;
	s0 =	rddreg [dreg:$0xb]  }
0x130: {  	s0 =	sadd.s32 @!p0 $0x100000, s0  }
0x131: {  	[sflag:s0] =	ssyncadd.tile.s32 @!p0 $0x1;
	_ =	shalt  }
.Lfunc_end2:
_tile_overlayer_lowered:
.L_overlay_start_2:
0x132: {  	(tag) =	ssettag $0x2  }
0x133: {  	s0 =	rddreg [dreg:$0x0];
	s2 =	stileid.u32  }
0x134: {  	s1 =	rddreg [dreg:$0x1];
	p0 =	sne.s32 s2, $0x0  }
0x135: {  	s3 =	rddreg [dreg:$0x2];
	[bflag:$0x3] =	sbarrier.arrive $0xFFFF;
	s2 =	simm.s32 @!p0 $0x1C03  }
0x136: {  	[timem:s3], [sflag:s2] =	dma.local @!p0 [hbm:s0], s1  }
0x137: {  	s0 =	simm.s32 @!p0 $0x3  }
0x138: {  	_ =	swait.ge @!p0 [sflag:s0], s1  }
0x139: {  	s1 =	ssub.s32 @!p0 $0x0, s1;
	[sflag:s0] =	ssyncset.done @!p0 $0x0  }
0x13a: {  	[sflag:s0] =	ssyncadd.s32 @!p0 s1  }
0x13b: {  	[bflag:$0x3] =	sbarrier.arrive $0xFFFF  }
0x13c: {  	_ =	shalt  }

</sc_bundles>
